<compile_context>
chip_gen: v7x
topology: tpu7x:2x2x1
jax: 0.10.2.dev20260603
libtpu: 0.0.44.dev20260713+nightly
codegen_flags: <defaults>
</compile_context>

<pallas_src>
import functools

import jax
import jax.numpy as jnp
from jax import lax
from jax.experimental import pallas as pl
from jax.experimental.pallas import tpu as pltpu
from jax.experimental.pallas import tpu_sc as plsc

_N = 2048
_R = 8
_D = 128
_INV_SQRT_D = 1.0 / (128.0 ** 0.5)

_PREC = jax.lax.Precision.HIGHEST


def _dot(a, b, trans_b=False, precision=_PREC):
    dims = (((1,), (1 if trans_b else 0,)), ((), ()))
    return lax.dot_general(a, b, dims, precision=precision,
                           preferred_element_type=jnp.float32)


def _proj_body(ent_ref, rel_ref, wq_ref, wk_ref, wv_ref, wr_ref, br_ref,
               q_ref, k_ref, v_ref, rele_ref):
    ent = ent_ref[...]
    q_ref[...] = _dot(ent, wq_ref[...])
    k_ref[...] = _dot(ent, wk_ref[...])
    v_ref[...] = _dot(ent, wv_ref[...])
    rele_ref[...] = _dot(rel_ref[...], wr_ref[...]) + br_ref[...][None, :]


def _proj(entities, relations, Wq, Wk, Wv, Wr, br):
    return pl.pallas_call(
        _proj_body,
        out_shape=[
            jax.ShapeDtypeStruct((_N, _D), jnp.float32),
            jax.ShapeDtypeStruct((_N, _D), jnp.float32),
            jax.ShapeDtypeStruct((_N, _D), jnp.float32),
            jax.ShapeDtypeStruct((_R, _D), jnp.float32),
        ],
    )(entities, relations, Wq, Wk, Wv, Wr, br)


_ABLK = 256


def _att_body(q_ref, k_ref, rele_ref, ea_ref, eb_ref):
    q = q_ref[...]
    a = _dot(q, k_ref[...], trans_b=True) * _INV_SQRT_D
    ma = jnp.max(a, axis=1, keepdims=True)
    ea_ref[...] = jnp.exp(a - ma)
    b = _dot(q, rele_ref[...], trans_b=True) * _INV_SQRT_D
    mb = jnp.max(b, axis=1, keepdims=True)
    eb_ref[...] = jnp.exp(b - mb)


def _att(q, k, rel_e):
    nblk = _N // _ABLK
    return pl.pallas_call(
        _att_body,
        grid=(nblk,),
        in_specs=[
            pl.BlockSpec((_ABLK, _D), lambda i: (i, 0)),
            pl.BlockSpec((_N, _D), lambda i: (0, 0)),
            pl.BlockSpec((_R, _D), lambda i: (0, 0)),
        ],
        out_specs=[
            pl.BlockSpec((_ABLK, _N), lambda i: (i, 0)),
            pl.BlockSpec((_ABLK, _R), lambda i: (i, 0)),
        ],
        out_shape=[
            jax.ShapeDtypeStruct((_N, _N), jnp.float32),
            jax.ShapeDtypeStruct((_N, _R), jnp.float32),
        ],
    )(q, k, rel_e)


_MRBLK = 2048


def _mr_body(rele_ref, wrs_ref, brs_ref, mr_ref):
    mr_ref[...] = _dot(rele_ref[...], wrs_ref[...]) + brs_ref[...][None, :]


def _mr(rel_e, W_rs, b_rs):
    nblk = (_D * _D) // _MRBLK
    return pl.pallas_call(
        _mr_body,
        grid=(nblk,),
        in_specs=[
            pl.BlockSpec((_R, _D), lambda j: (0, 0)),
            pl.BlockSpec((_D, _MRBLK), lambda j: (0, j)),
            pl.BlockSpec((_MRBLK,), lambda j: (j,)),
        ],
        out_specs=pl.BlockSpec((_R, _MRBLK), lambda j: (0, j)),
        out_shape=jax.ShapeDtypeStruct((_R, _D * _D), jnp.float32),
    )(rel_e, W_rs, b_rs)


_GBLK = 256


def _agg_body(w0_ref, w1_ref, ea_ref, u_ref, eb_ref, v_ref, rele_ref, ent_ref,
              wo_ref, g_ref, b_ref, out_ref):
    ea = ea_ref[...]
    pl_ = w0_ref[...] * ea[:, :_QC]
    pr_ = w1_ref[...] * ea[:, _QC:]
    denom = (jnp.sum(pl_, axis=1, keepdims=True)
             + jnp.sum(pr_, axis=1, keepdims=True) + 1e-30)
    num = (_dot(pl_, v_ref[...][:_QC]) + _dot(pr_, v_ref[...][_QC:])
           + _dot(u_ref[...] * eb_ref[...], rele_ref[...]))
    agg = num / denom
    h = ent_ref[...] + _dot(agg, wo_ref[...])
    mu = jnp.mean(h, axis=1, keepdims=True)
    hc = h - mu
    var = jnp.mean(hc * hc, axis=1, keepdims=True)
    out_ref[...] = g_ref[...][None, :] * hc * jax.lax.rsqrt(var + 1e-5) \
        + b_ref[...][None, :]


def _agg(w0, w1, eA, U, eB, v, rel_e, entities, Wo, ln_g, ln_b):
    nblk = _N // _GBLK
    return pl.pallas_call(
        _agg_body,
        grid=(nblk,),
        in_specs=[
            pl.BlockSpec((_GBLK, _QC), lambda i: (i, 0)),
            pl.BlockSpec((_GBLK, _QC), lambda i: (i, 0)),
            pl.BlockSpec((_GBLK, _N), lambda i: (i, 0)),
            pl.BlockSpec((_GBLK, _R), lambda i: (i, 0)),
            pl.BlockSpec((_GBLK, _R), lambda i: (i, 0)),
            pl.BlockSpec((_N, _D), lambda i: (0, 0)),
            pl.BlockSpec((_R, _D), lambda i: (0, 0)),
            pl.BlockSpec((_GBLK, _D), lambda i: (i, 0)),
            pl.BlockSpec((_D, _D), lambda i: (0, 0)),
            pl.BlockSpec((_D,), lambda i: (0,)),
            pl.BlockSpec((_D,), lambda i: (0,)),
        ],
        out_specs=pl.BlockSpec((_GBLK, _D), lambda i: (i, 0)),
        out_shape=jax.ShapeDtypeStruct((_N, _D), jnp.float32),
    )(w0, w1, eA, U, eB, v, rel_e, entities, Wo, ln_g, ln_b)


_SBLK = 256


def _rescal_body(mr_ref, emb_i_ref, emb_ref, out_ref):
    p = _PREC
    t = _dot(emb_i_ref[...], mr_ref[0], precision=p)
    out_ref[0] = _dot(t, emb_ref[...], trans_b=True, precision=p)


def _rescal(Mr3, ent_emb):
    nblk = _N // _SBLK
    return pl.pallas_call(
        _rescal_body,
        grid=(_R, nblk),
        in_specs=[
            pl.BlockSpec((1, _D, _D), lambda r, i: (r, 0, 0)),
            pl.BlockSpec((_SBLK, _D), lambda r, i: (i, 0)),
            pl.BlockSpec((_N, _D), lambda r, i: (0, 0)),
        ],
        out_specs=pl.BlockSpec((1, _SBLK, _N), lambda r, i: (r, i, 0)),
        out_shape=jax.ShapeDtypeStruct((_R, _N, _N), jnp.float32),
    )(Mr3, ent_emb, ent_emb)



_E = 131072
_NT = 16
_EPT = _E // _NT
_NH = 2
_EPH = _EPT // _NH
_NCH = _EPH // 128
_QR = 1024
_QC = 1024
_QW = _QR * _QC
_TRASH_W = _QW
_UW = _QR * _R
_TRASH_U = _UW
_ZB = 8192
_WPT = _QW // _NT


def _edge_sc(coo_flat, ea_flat, eb_flat):
    mesh = plsc.VectorSubcoreMesh(core_axis_name="c", subcore_axis_name="s")

    @functools.partial(
        pl.kernel,
        out_type=[
            jax.ShapeDtypeStruct((2, _N * _QC), jnp.float32),
            jax.ShapeDtypeStruct((_N * _R,), jnp.float32),
        ],
        mesh=mesh,
        compiler_params=pltpu.CompilerParams(needs_layout_passes=False),
        scratch_types=[
            pltpu.VMEM_SHARED((_QW + 8,), jnp.float32),
            pltpu.VMEM_SHARED((_UW + 8,), jnp.float32),
            pltpu.VMEM((_EPH,), jnp.int32),
            pltpu.VMEM((_EPH,), jnp.int32),
            pltpu.VMEM((_EPH,), jnp.int32),
            pltpu.VMEM((_N * _R,), jnp.float32),
            pltpu.VMEM((_EPH,), jnp.int32),
            pltpu.VMEM((_EPH,), jnp.int32),
            pltpu.VMEM((_EPH,), jnp.int32),
            pltpu.VMEM((_EPH,), jnp.float32),
            pltpu.VMEM((_EPH,), jnp.float32),
            pltpu.VMEM((_ZB,), jnp.float32),
            pltpu.SemaphoreType.DMA,
        ],
    )
    def k(coos_hbm, coor_hbm, cood_hbm, ea_hbm, eb_hbm, w_hbm, u_hbm,
          wq_sh, u_sh, coo_sv, coo_rv, coo_dv, eb_v,
          idxw_v, idxu_v, idxa_v, valb_v, vala_v, zbuf, sem):
        c = lax.axis_index("c")
        t = lax.axis_index("s")
        rb = c * _QR
        iota = lax.iota(jnp.int32, 16)

        pltpu.sync_copy(eb_hbm, eb_v)

        def zb_body(i, _):
            zbuf[pl.ds(i * 16, 16)] = jnp.zeros((16,), jnp.float32)
            return 0
        lax.fori_loop(0, _ZB // 16, zb_body, 0)

        @pl.when(t == 0)
        def _():
            for i in range(_UW // _ZB):
                pltpu.sync_copy(zbuf, u_sh.at[pl.ds(i * _ZB, _ZB)])

        for p in range(2):
            cb = p * _QC
            for i in range(_WPT // _ZB):
                pltpu.sync_copy(zbuf,
                                wq_sh.at[pl.ds(t * _WPT + i * _ZB, _ZB)])
            plsc.subcore_barrier()

            for h in range(_NH):
                ebeg = t * _EPT + h * _EPH
                pltpu.sync_copy(coos_hbm.at[pl.ds(ebeg, _EPH)], coo_sv)
                pltpu.sync_copy(coor_hbm.at[pl.ds(ebeg, _EPH)], coo_rv)
                pltpu.sync_copy(cood_hbm.at[pl.ds(ebeg, _EPH)], coo_dv)

                def grp_body(g, _):
                    lofs = g * 16
                    es = coo_sv[pl.ds(lofs, 16)]
                    er = coo_rv[pl.ds(lofs, 16)]
                    ed = coo_dv[pl.ds(lofs, 16)]
                    rowm = (ed >= rb) & (ed < rb + _QR)
                    mask = rowm & (es >= cb) & (es < cb + _QC)
                    idxw = jnp.where(mask, (ed - rb) * _QC + (es - cb),
                                     _TRASH_W)
                    valb = plsc.load_gather(eb_v, [ed * _R + er])
                    idxw_v[pl.ds(lofs, 16)] = idxw
                    valb_v[pl.ds(lofs, 16)] = valb
                    if p == 0:
                        idxu = jnp.where(rowm, (ed - rb) * _R + er, _TRASH_U)
                        idxu_v[pl.ds(lofs, 16)] = idxu
                        idxa_v[pl.ds(lofs, 16)] = ed * _N + es
                    return 0
                lax.fori_loop(0, _EPH // 16, grp_body, 0)

                if p == 0:
                    pltpu.async_copy(ea_hbm.at[idxa_v], vala_v, sem).wait()
                    pltpu.sync_copy(vala_v, u_sh.at[idxu_v], add=True)
                pltpu.sync_copy(valb_v, wq_sh.at[idxw_v], add=True)
            plsc.subcore_barrier()

            pltpu.sync_copy(
                wq_sh.at[pl.ds(t * _WPT, _WPT)],
                w_hbm.at[p, pl.ds((rb + t * (_QR // _NT)) * _QC, _WPT)])
            plsc.subcore_barrier()

        @pl.when(t == 0)
        def _():
            pltpu.sync_copy(u_sh.at[pl.ds(0, _UW)],
                            u_hbm.at[pl.ds(c * _UW, _UW)])

    return k(coo_flat[0], coo_flat[1], coo_flat[2], ea_flat, eb_flat)


def _edge_pass(x_coo, eA, eB):
    coo_cols = x_coo.astype(jnp.int32).T.copy()
    w2, u_flat = _edge_sc(coo_cols, eA.reshape(-1), eB.reshape(-1))
    w0 = w2[0].reshape(_N, _QC)
    w1 = w2[1].reshape(_N, _QC)
    return w0, w1, u_flat.reshape(_N, _R)


def kernel(entities, relations, x_coo, Wq, Wk, Wv, Wo, Wr, br, ln_g, ln_b,
           W_rs, b_rs):
    q, k, v, rel_e = _proj(entities, relations, Wq, Wk, Wv, Wr, br)
    eA, eB = _att(q, k, rel_e)
    w0, w1, U = _edge_pass(x_coo, eA, eB)
    ent_emb = _agg(w0, w1, eA, U, eB, v, rel_e, entities, Wo, ln_g, ln_b)
    Mr = _mr(rel_e, W_rs, b_rs)
    Mr3 = Mr.reshape(_R, _D, _D)
    return _rescal(Mr3, ent_emb)

# --- scband reference (transcript-rebuilt; emitter-appended) ---
"""Pipeline reference for scband-graph-encoder-decoder-37245956391045 (READ-ONLY COPY).

The authoritative reference and input builder live on the scoring server;
editing this copy changes nothing except your own understanding.
"""

import jax, jax.numpy as jnp
import numpy as np

N = 2048
R = 8
D = 128
E = 131072


def setup_inputs(seed: int = 0):
    key = jax.random.key(seed)
    ks = jax.random.split(key, 12)
    entities = jax.random.normal(ks[0], (N, D), dtype=jnp.float32)
    relations = jax.random.normal(ks[1], (R, D), dtype=jnp.float32)
    head = jax.random.randint(ks[2], (E,), 0, N)
    rel = jax.random.randint(ks[3], (E,), 0, R)
    tail = jax.random.randint(ks[4], (E,), 0, N)
    x_coo = jnp.stack([head, rel, tail], axis=1)
    s = 1.0 / np.sqrt(D)
    Wq = jax.random.normal(ks[5], (D, D), dtype=jnp.float32) * s
    Wk = jax.random.normal(ks[6], (D, D), dtype=jnp.float32) * s
    Wv = jax.random.normal(ks[7], (D, D), dtype=jnp.float32) * s
    Wo = jax.random.normal(ks[8], (D, D), dtype=jnp.float32) * s
    Wr = jax.random.normal(ks[9], (D, D), dtype=jnp.float32) * s
    br = jnp.zeros((D,), dtype=jnp.float32)
    ln_g = jnp.ones((D,), dtype=jnp.float32)
    ln_b = jnp.zeros((D,), dtype=jnp.float32)
    W_rs = jax.random.normal(ks[10], (D, D * D), dtype=jnp.float32) * s
    b_rs = jnp.zeros((D * D,), dtype=jnp.float32)
    return {"entities": entities, "relations": relations, "x_coo": x_coo,
            "Wq": Wq, "Wk": Wk, "Wv": Wv, "Wo": Wo, "Wr": Wr, "br": br,
            "ln_g": ln_g, "ln_b": ln_b, "W_rs": W_rs, "b_rs": b_rs}


def _forward(entities, relations, x_coo, Wq, Wk, Wv, Wo, Wr, br, ln_g, ln_b, W_rs, b_rs):
    n, d = entities.shape
    # edge_index = x_coo[:, [0, 2]].T ; relation_index = x_coo[:, 1]
    src = x_coo[:, 0]
    rel = x_coo[:, 1]
    dst = x_coo[:, 2]
    # --- GraphEncoder (1 layer, 1 head, dropout inactive at eval) ---
    rel_e = relations @ Wr + br
    q = entities @ Wq
    k = entities @ Wk
    v = entities @ Wv
    ks_ = k[src] + rel_e[rel]
    vs_ = v[src] + rel_e[rel]
    logits = jnp.sum(q[dst] * ks_, axis=-1) / jnp.sqrt(jnp.float32(d))
    m = jax.ops.segment_max(logits, dst, num_segments=n)
    m = jnp.where(jnp.isfinite(m), m, 0.0)
    ex = jnp.exp(logits - m[dst])
    denom = jax.ops.segment_sum(ex, dst, num_segments=n) + 1e-9
    alpha = ex / denom[dst]
    agg = jax.ops.segment_sum(alpha[:, None] * vs_, dst, num_segments=n)
    h = entities + agg @ Wo
    mu = jnp.mean(h, axis=-1, keepdims=True)
    var = jnp.var(h, axis=-1, keepdims=True)
    ent_emb = ln_g * (h - mu) / jnp.sqrt(var + 1e-5) + ln_b
    # --- ReshapeRelation: Linear(dim, dim*dim) -> [R, d, d] ---
    Mr = (rel_e @ W_rs + b_rs).reshape(-1, d, d)
    # --- RESCAL: score[r] = A @ M_r @ A^T ---
    score = jnp.einsum('nd,rde,me->rnm', ent_emb, Mr, ent_emb)
    return score


def reference(entities, relations, x_coo, Wq, Wk, Wv, Wo, Wr, br, ln_g, ln_b, W_rs, b_rs):
    return _forward(entities, relations, x_coo, Wq, Wk, Wv, Wo, Wr, br, ln_g, ln_b, W_rs, b_rs)

if __name__ == "__main__":
    import jax
    _d = setup_inputs()
    print(jax.jit(kernel)(*tuple(_d.values())))

</pallas_src>

<mosaic_0001>
#map = affine_map<(d0, d1) -> (0)>
#map1 = affine_map<(d0, d1) -> (0, 0)>
module attributes {stable_mosaic.version = 14 : i64} {
  func.func @k(%arg0: i32, %arg1: i32, %arg2: memref<131072xi32, #tpu.memory_space<hbm>>, %arg3: memref<131072xi32, #tpu.memory_space<hbm>>, %arg4: memref<131072xi32, #tpu.memory_space<hbm>>, %arg5: memref<4194304xf32, #tpu.memory_space<hbm>>, %arg6: memref<16384xf32, #tpu.memory_space<hbm>>, %arg7: memref<2x2097152xf32, #tpu.memory_space<hbm>>, %arg8: memref<16384xf32, #tpu.memory_space<hbm>>, %arg9: memref<1048584xf32, #tpu.memory_space<vmem_shared>>, %arg10: memref<8200xf32, #tpu.memory_space<vmem_shared>>, %arg11: memref<4096xi32, #tpu.memory_space<vmem>>, %arg12: memref<4096xi32, #tpu.memory_space<vmem>>, %arg13: memref<4096xi32, #tpu.memory_space<vmem>>, %arg14: memref<16384xf32, #tpu.memory_space<vmem>>, %arg15: memref<4096xi32, #tpu.memory_space<vmem>>, %arg16: memref<4096xi32, #tpu.memory_space<vmem>>, %arg17: memref<4096xi32, #tpu.memory_space<vmem>>, %arg18: memref<4096xf32, #tpu.memory_space<vmem>>, %arg19: memref<4096xf32, #tpu.memory_space<vmem>>, %arg20: memref<8192xf32, #tpu.memory_space<vmem>>, %arg21: memref<!tpu.dma_semaphore, #tpu.memory_space<semaphore_mem>>) attributes {dimension_semantics = [#tpu.dimension_semantics<core_parallel>, #tpu.dimension_semantics<subcore_parallel>], iteration_bounds = array<i64: 2, 16>, scalar_prefetch = 0 : i64, scratch_operands = 13 : i64, tpu.core_type = #tpu.core_type<sc_vector_subcore>, window_params = [{transform_indices = #map}, {transform_indices = #map}, {transform_indices = #map}, {transform_indices = #map}, {transform_indices = #map}, {transform_indices = #map1}, {transform_indices = #map}]} {
    %mul3A = arith.constant 1024 : i32
    %mul3A_0 = arith.muli %arg0, %mul3A : i32
    %iota3A = tpu.iota {dimensions = array<i32: 0>} : vector<16xi32>
    "tpu.region"() ({
      %run_scoped3A_147 = tpu.sem_alloc : memref<!tpu.dma_semaphore, #tpu.memory_space<semaphore_mem>>
      tpu.enqueue_dma source(%arg6 : memref<16384xf32, #tpu.memory_space<hbm>>) target(%arg14 : memref<16384xf32, #tpu.memory_space<vmem>>) target_semaphore(%run_scoped3A_147 : memref<!tpu.dma_semaphore, #tpu.memory_space<semaphore_mem>>)
      tpu.wait_dma2 semaphore(%run_scoped3A_147 : memref<!tpu.dma_semaphore, #tpu.memory_space<semaphore_mem>>) src(%arg6 : memref<16384xf32, #tpu.memory_space<hbm>>) dst(%arg14 : memref<16384xf32, #tpu.memory_space<vmem>>)
      tpu.yield
    }) : () -> ()
    %scan3A = arith.constant 0 : i32
    %scan3A_1 = arith.constant 0 : i32
    %scan3A_2 = arith.constant 512 : i32
    %scan3A_3 = arith.addi %scan3A_1, %scan3A_2 : i32
    %scan3A_4 = arith.constant 1 : i32
    %scan3A_5 = scf.for %scan3A_147 = %scan3A_1 to %scan3A_3 step %scan3A_4 iter_args(%scan3A_148 = %scan3A) -> (i32)  : i32 {
      %broadcast_in_dim3A = arith.constant 0.000000e+00 : f32
      %broadcast_in_dim3A_149 = vector.broadcast %broadcast_in_dim3A : f32 to vector<16xf32>
      %mul3A_150 = arith.constant 16 : i32
      %mul3A_151 = arith.muli %scan3A_147, %mul3A_150 : i32
      %swap3A = arith.index_cast %mul3A_151 : i32 to index
      %swap3A_152 = tpu.vector_load %arg20[%swap3A] {strides = array<i32>} : memref<8192xf32, #tpu.memory_space<vmem>>, vector<16xf32>,
      tpu.vector_store %arg20[%swap3A], %broadcast_in_dim3A_149 {strides = array<i32>} : memref<8192xf32, #tpu.memory_space<vmem>>, vector<16xf32>,
      %scan3A_153 = arith.constant 0 : i32
      scf.yield %scan3A_153 : i32
    }
    %scan3A_6 = arith.constant 512 : i32
    %eq3A = arith.constant 0 : i32
    %eq3A_7 = arith.cmpi eq, %arg1, %eq3A : i32
    %convert_element_type3A = arith.extui %eq3A_7 : i1 to i32
    %cond3A = arith.constant 0 : i32
    %cond3A_8 = arith.cmpi ne, %convert_element_type3A, %cond3A : i32
    scf.if %cond3A_8 {
      "tpu.region"() ({
        %run_scoped3A_147 = tpu.sem_alloc : memref<!tpu.dma_semaphore, #tpu.memory_space<semaphore_mem>>
        %dma_start3A_148 = arith.constant 0 : i32
        %dma_start3A_149 = tpu.memref_slice %arg10[%dma_start3A_148] : memref<8200xf32, #tpu.memory_space<vmem_shared>> -> memref<8192xf32, #tpu.memory_space<vmem_shared>>
        %dma_start3A_150 = arith.constant 0 : i32
        %dma_start3A_151 = tpu.memref_slice %arg10[%dma_start3A_150] : memref<8200xf32, #tpu.memory_space<vmem_shared>> -> memref<8192xf32, #tpu.memory_space<vmem_shared>>
        tpu.enqueue_dma source(%arg20 : memref<8192xf32, #tpu.memory_space<vmem>>) target(%dma_start3A_151 : memref<8192xf32, #tpu.memory_space<vmem_shared>>) target_semaphore(%run_scoped3A_147 : memref<!tpu.dma_semaphore, #tpu.memory_space<semaphore_mem>>)
        %dma_wait3A_152 = arith.constant 0 : i32
        %dma_wait3A_153 = tpu.memref_slice %arg10[%dma_wait3A_152] : memref<8200xf32, #tpu.memory_space<vmem_shared>> -> memref<8192xf32, #tpu.memory_space<vmem_shared>>
        %dma_wait3A_154 = arith.constant 0 : i32
        %dma_wait3A_155 = tpu.memref_slice %arg10[%dma_wait3A_154] : memref<8200xf32, #tpu.memory_space<vmem_shared>> -> memref<8192xf32, #tpu.memory_space<vmem_shared>>
        tpu.wait_dma2 semaphore(%run_scoped3A_147 : memref<!tpu.dma_semaphore, #tpu.memory_space<semaphore_mem>>) src(%arg20 : memref<8192xf32, #tpu.memory_space<vmem>>) dst(%dma_wait3A_155 : memref<8192xf32, #tpu.memory_space<vmem_shared>>)
        tpu.yield
      }) : () -> ()
    } else {
    }
    %mul3A_9 = arith.constant 65536 : i32
    %mul3A_10 = arith.muli %arg1, %mul3A_9 : i32
    %add3A = arith.constant 0 : i32
    %add3A_11 = arith.addi %mul3A_10, %add3A : i32
    "tpu.region"() ({
      %run_scoped3A_147 = tpu.sem_alloc : memref<!tpu.dma_semaphore, #tpu.memory_space<semaphore_mem>>
      %dma_start3A_148 = tpu.memref_slice %arg9[%add3A_11] : memref<1048584xf32, #tpu.memory_space<vmem_shared>> -> memref<8192xf32, #tpu.memory_space<vmem_shared>>
      %dma_start3A_149 = tpu.memref_slice %arg9[%add3A_11] : memref<1048584xf32, #tpu.memory_space<vmem_shared>> -> memref<8192xf32, #tpu.memory_space<vmem_shared>>
      tpu.enqueue_dma source(%arg20 : memref<8192xf32, #tpu.memory_space<vmem>>) target(%dma_start3A_149 : memref<8192xf32, #tpu.memory_space<vmem_shared>>) target_semaphore(%run_scoped3A_147 : memref<!tpu.dma_semaphore, #tpu.memory_space<semaphore_mem>>)
      %dma_wait3A_150 = tpu.memref_slice %arg9[%add3A_11] : memref<1048584xf32, #tpu.memory_space<vmem_shared>> -> memref<8192xf32, #tpu.memory_space<vmem_shared>>
      %dma_wait3A_151 = tpu.memref_slice %arg9[%add3A_11] : memref<1048584xf32, #tpu.memory_space<vmem_shared>> -> memref<8192xf32, #tpu.memory_space<vmem_shared>>
      tpu.wait_dma2 semaphore(%run_scoped3A_147 : memref<!tpu.dma_semaphore, #tpu.memory_space<semaphore_mem>>) src(%arg20 : memref<8192xf32, #tpu.memory_space<vmem>>) dst(%dma_wait3A_151 : memref<8192xf32, #tpu.memory_space<vmem_shared>>)
      tpu.yield
    }) : () -> ()
    %mul3A_12 = arith.constant 65536 : i32
    %mul3A_13 = arith.muli %arg1, %mul3A_12 : i32
    %add3A_14 = arith.constant 8192 : i32
    %add3A_15 = arith.addi %mul3A_13, %add3A_14 : i32
    "tpu.region"() ({
      %run_scoped3A_147 = tpu.sem_alloc : memref<!tpu.dma_semaphore, #tpu.memory_space<semaphore_mem>>
      %dma_start3A_148 = tpu.memref_slice %arg9[%add3A_15] : memref<1048584xf32, #tpu.memory_space<vmem_shared>> -> memref<8192xf32, #tpu.memory_space<vmem_shared>>
      %dma_start3A_149 = tpu.memref_slice %arg9[%add3A_15] : memref<1048584xf32, #tpu.memory_space<vmem_shared>> -> memref<8192xf32, #tpu.memory_space<vmem_shared>>
      tpu.enqueue_dma source(%arg20 : memref<8192xf32, #tpu.memory_space<vmem>>) target(%dma_start3A_149 : memref<8192xf32, #tpu.memory_space<vmem_shared>>) target_semaphore(%run_scoped3A_147 : memref<!tpu.dma_semaphore, #tpu.memory_space<semaphore_mem>>)
      %dma_wait3A_150 = tpu.memref_slice %arg9[%add3A_15] : memref<1048584xf32, #tpu.memory_space<vmem_shared>> -> memref<8192xf32, #tpu.memory_space<vmem_shared>>
      %dma_wait3A_151 = tpu.memref_slice %arg9[%add3A_15] : memref<1048584xf32, #tpu.memory_space<vmem_shared>> -> memref<8192xf32, #tpu.memory_space<vmem_shared>>
      tpu.wait_dma2 semaphore(%run_scoped3A_147 : memref<!tpu.dma_semaphore, #tpu.memory_space<semaphore_mem>>) src(%arg20 : memref<8192xf32, #tpu.memory_space<vmem>>) dst(%dma_wait3A_151 : memref<8192xf32, #tpu.memory_space<vmem_shared>>)
      tpu.yield
    }) : () -> ()
    %mul3A_16 = arith.constant 65536 : i32
    %mul3A_17 = arith.muli %arg1, %mul3A_16 : i32
    %add3A_18 = arith.constant 16384 : i32
    %add3A_19 = arith.addi %mul3A_17, %add3A_18 : i32
    "tpu.region"() ({
      %run_scoped3A_147 = tpu.sem_alloc : memref<!tpu.dma_semaphore, #tpu.memory_space<semaphore_mem>>
      %dma_start3A_148 = tpu.memref_slice %arg9[%add3A_19] : memref<1048584xf32, #tpu.memory_space<vmem_shared>> -> memref<8192xf32, #tpu.memory_space<vmem_shared>>
      %dma_start3A_149 = tpu.memref_slice %arg9[%add3A_19] : memref<1048584xf32, #tpu.memory_space<vmem_shared>> -> memref<8192xf32, #tpu.memory_space<vmem_shared>>
      tpu.enqueue_dma source(%arg20 : memref<8192xf32, #tpu.memory_space<vmem>>) target(%dma_start3A_149 : memref<8192xf32, #tpu.memory_space<vmem_shared>>) target_semaphore(%run_scoped3A_147 : memref<!tpu.dma_semaphore, #tpu.memory_space<semaphore_mem>>)
      %dma_wait3A_150 = tpu.memref_slice %arg9[%add3A_19] : memref<1048584xf32, #tpu.memory_space<vmem_shared>> -> memref<8192xf32, #tpu.memory_space<vmem_shared>>
      %dma_wait3A_151 = tpu.memref_slice %arg9[%add3A_19] : memref<1048584xf32, #tpu.memory_space<vmem_shared>> -> memref<8192xf32, #tpu.memory_space<vmem_shared>>
      tpu.wait_dma2 semaphore(%run_scoped3A_147 : memref<!tpu.dma_semaphore, #tpu.memory_space<semaphore_mem>>) src(%arg20 : memref<8192xf32, #tpu.memory_space<vmem>>) dst(%dma_wait3A_151 : memref<8192xf32, #tpu.memory_space<vmem_shared>>)
      tpu.yield
    }) : () -> ()
    %mul3A_20 = arith.constant 65536 : i32
    %mul3A_21 = arith.muli %arg1, %mul3A_20 : i32
    %add3A_22 = arith.constant 24576 : i32
    %add3A_23 = arith.addi %mul3A_21, %add3A_22 : i32
    "tpu.region"() ({
      %run_scoped3A_147 = tpu.sem_alloc : memref<!tpu.dma_semaphore, #tpu.memory_space<semaphore_mem>>
      %dma_start3A_148 = tpu.memref_slice %arg9[%add3A_23] : memref<1048584xf32, #tpu.memory_space<vmem_shared>> -> memref<8192xf32, #tpu.memory_space<vmem_shared>>
      %dma_start3A_149 = tpu.memref_slice %arg9[%add3A_23] : memref<1048584xf32, #tpu.memory_space<vmem_shared>> -> memref<8192xf32, #tpu.memory_space<vmem_shared>>
      tpu.enqueue_dma source(%arg20 : memref<8192xf32, #tpu.memory_space<vmem>>) target(%dma_start3A_149 : memref<8192xf32, #tpu.memory_space<vmem_shared>>) target_semaphore(%run_scoped3A_147 : memref<!tpu.dma_semaphore, #tpu.memory_space<semaphore_mem>>)
      %dma_wait3A_150 = tpu.memref_slice %arg9[%add3A_23] : memref<1048584xf32, #tpu.memory_space<vmem_shared>> -> memref<8192xf32, #tpu.memory_space<vmem_shared>>
      %dma_wait3A_151 = tpu.memref_slice %arg9[%add3A_23] : memref<1048584xf32, #tpu.memory_space<vmem_shared>> -> memref<8192xf32, #tpu.memory_space<vmem_shared>>
      tpu.wait_dma2 semaphore(%run_scoped3A_147 : memref<!tpu.dma_semaphore, #tpu.memory_space<semaphore_mem>>) src(%arg20 : memref<8192xf32, #tpu.memory_space<vmem>>) dst(%dma_wait3A_151 : memref<8192xf32, #tpu.memory_space<vmem_shared>>)
      tpu.yield
    }) : () -> ()
    %mul3A_24 = arith.constant 65536 : i32
    %mul3A_25 = arith.muli %arg1, %mul3A_24 : i32
    %add3A_26 = arith.constant 32768 : i32
    %add3A_27 = arith.addi %mul3A_25, %add3A_26 : i32
    "tpu.region"() ({
      %run_scoped3A_147 = tpu.sem_alloc : memref<!tpu.dma_semaphore, #tpu.memory_space<semaphore_mem>>
      %dma_start3A_148 = tpu.memref_slice %arg9[%add3A_27] : memref<1048584xf32, #tpu.memory_space<vmem_shared>> -> memref<8192xf32, #tpu.memory_space<vmem_shared>>
      %dma_start3A_149 = tpu.memref_slice %arg9[%add3A_27] : memref<1048584xf32, #tpu.memory_space<vmem_shared>> -> memref<8192xf32, #tpu.memory_space<vmem_shared>>
      tpu.enqueue_dma source(%arg20 : memref<8192xf32, #tpu.memory_space<vmem>>) target(%dma_start3A_149 : memref<8192xf32, #tpu.memory_space<vmem_shared>>) target_semaphore(%run_scoped3A_147 : memref<!tpu.dma_semaphore, #tpu.memory_space<semaphore_mem>>)
      %dma_wait3A_150 = tpu.memref_slice %arg9[%add3A_27] : memref<1048584xf32, #tpu.memory_space<vmem_shared>> -> memref<8192xf32, #tpu.memory_space<vmem_shared>>
      %dma_wait3A_151 = tpu.memref_slice %arg9[%add3A_27] : memref<1048584xf32, #tpu.memory_space<vmem_shared>> -> memref<8192xf32, #tpu.memory_space<vmem_shared>>
      tpu.wait_dma2 semaphore(%run_scoped3A_147 : memref<!tpu.dma_semaphore, #tpu.memory_space<semaphore_mem>>) src(%arg20 : memref<8192xf32, #tpu.memory_space<vmem>>) dst(%dma_wait3A_151 : memref<8192xf32, #tpu.memory_space<vmem_shared>>)
      tpu.yield
    }) : () -> ()
    %mul3A_28 = arith.constant 65536 : i32
    %mul3A_29 = arith.muli %arg1, %mul3A_28 : i32
    %add3A_30 = arith.constant 40960 : i32
    %add3A_31 = arith.addi %mul3A_29, %add3A_30 : i32
    "tpu.region"() ({
      %run_scoped3A_147 = tpu.sem_alloc : memref<!tpu.dma_semaphore, #tpu.memory_space<semaphore_mem>>
      %dma_start3A_148 = tpu.memref_slice %arg9[%add3A_31] : memref<1048584xf32, #tpu.memory_space<vmem_shared>> -> memref<8192xf32, #tpu.memory_space<vmem_shared>>
      %dma_start3A_149 = tpu.memref_slice %arg9[%add3A_31] : memref<1048584xf32, #tpu.memory_space<vmem_shared>> -> memref<8192xf32, #tpu.memory_space<vmem_shared>>
      tpu.enqueue_dma source(%arg20 : memref<8192xf32, #tpu.memory_space<vmem>>) target(%dma_start3A_149 : memref<8192xf32, #tpu.memory_space<vmem_shared>>) target_semaphore(%run_scoped3A_147 : memref<!tpu.dma_semaphore, #tpu.memory_space<semaphore_mem>>)
      %dma_wait3A_150 = tpu.memref_slice %arg9[%add3A_31] : memref<1048584xf32, #tpu.memory_space<vmem_shared>> -> memref<8192xf32, #tpu.memory_space<vmem_shared>>
      %dma_wait3A_151 = tpu.memref_slice %arg9[%add3A_31] : memref<1048584xf32, #tpu.memory_space<vmem_shared>> -> memref<8192xf32, #tpu.memory_space<vmem_shared>>
      tpu.wait_dma2 semaphore(%run_scoped3A_147 : memref<!tpu.dma_semaphore, #tpu.memory_space<semaphore_mem>>) src(%arg20 : memref<8192xf32, #tpu.memory_space<vmem>>) dst(%dma_wait3A_151 : memref<8192xf32, #tpu.memory_space<vmem_shared>>)
      tpu.yield
    }) : () -> ()
    %mul3A_32 = arith.constant 65536 : i32
    %mul3A_33 = arith.muli %arg1, %mul3A_32 : i32
    %add3A_34 = arith.constant 49152 : i32
    %add3A_35 = arith.addi %mul3A_33, %add3A_34 : i32
    "tpu.region"() ({
      %run_scoped3A_147 = tpu.sem_alloc : memref<!tpu.dma_semaphore, #tpu.memory_space<semaphore_mem>>
      %dma_start3A_148 = tpu.memref_slice %arg9[%add3A_35] : memref<1048584xf32, #tpu.memory_space<vmem_shared>> -> memref<8192xf32, #tpu.memory_space<vmem_shared>>
      %dma_start3A_149 = tpu.memref_slice %arg9[%add3A_35] : memref<1048584xf32, #tpu.memory_space<vmem_shared>> -> memref<8192xf32, #tpu.memory_space<vmem_shared>>
      tpu.enqueue_dma source(%arg20 : memref<8192xf32, #tpu.memory_space<vmem>>) target(%dma_start3A_149 : memref<8192xf32, #tpu.memory_space<vmem_shared>>) target_semaphore(%run_scoped3A_147 : memref<!tpu.dma_semaphore, #tpu.memory_space<semaphore_mem>>)
      %dma_wait3A_150 = tpu.memref_slice %arg9[%add3A_35] : memref<1048584xf32, #tpu.memory_space<vmem_shared>> -> memref<8192xf32, #tpu.memory_space<vmem_shared>>
      %dma_wait3A_151 = tpu.memref_slice %arg9[%add3A_35] : memref<1048584xf32, #tpu.memory_space<vmem_shared>> -> memref<8192xf32, #tpu.memory_space<vmem_shared>>
      tpu.wait_dma2 semaphore(%run_scoped3A_147 : memref<!tpu.dma_semaphore, #tpu.memory_space<semaphore_mem>>) src(%arg20 : memref<8192xf32, #tpu.memory_space<vmem>>) dst(%dma_wait3A_151 : memref<8192xf32, #tpu.memory_space<vmem_shared>>)
      tpu.yield
    }) : () -> ()
    %mul3A_36 = arith.constant 65536 : i32
    %mul3A_37 = arith.muli %arg1, %mul3A_36 : i32
    %add3A_38 = arith.constant 57344 : i32
    %add3A_39 = arith.addi %mul3A_37, %add3A_38 : i32
    "tpu.region"() ({
      %run_scoped3A_147 = tpu.sem_alloc : memref<!tpu.dma_semaphore, #tpu.memory_space<semaphore_mem>>
      %dma_start3A_148 = tpu.memref_slice %arg9[%add3A_39] : memref<1048584xf32, #tpu.memory_space<vmem_shared>> -> memref<8192xf32, #tpu.memory_space<vmem_shared>>
      %dma_start3A_149 = tpu.memref_slice %arg9[%add3A_39] : memref<1048584xf32, #tpu.memory_space<vmem_shared>> -> memref<8192xf32, #tpu.memory_space<vmem_shared>>
      tpu.enqueue_dma source(%arg20 : memref<8192xf32, #tpu.memory_space<vmem>>) target(%dma_start3A_149 : memref<8192xf32, #tpu.memory_space<vmem_shared>>) target_semaphore(%run_scoped3A_147 : memref<!tpu.dma_semaphore, #tpu.memory_space<semaphore_mem>>)
      %dma_wait3A_150 = tpu.memref_slice %arg9[%add3A_39] : memref<1048584xf32, #tpu.memory_space<vmem_shared>> -> memref<8192xf32, #tpu.memory_space<vmem_shared>>
      %dma_wait3A_151 = tpu.memref_slice %arg9[%add3A_39] : memref<1048584xf32, #tpu.memory_space<vmem_shared>> -> memref<8192xf32, #tpu.memory_space<vmem_shared>>
      tpu.wait_dma2 semaphore(%run_scoped3A_147 : memref<!tpu.dma_semaphore, #tpu.memory_space<semaphore_mem>>) src(%arg20 : memref<8192xf32, #tpu.memory_space<vmem>>) dst(%dma_wait3A_151 : memref<8192xf32, #tpu.memory_space<vmem_shared>>)
      tpu.yield
    }) : () -> ()
    %barrier3A = arith.constant 0 : index
    tpu.barrier barrier_id(%barrier3A)
    %mul3A_40 = arith.constant 8192 : i32
    %mul3A_41 = arith.muli %arg1, %mul3A_40 : i32
    %add3A_42 = arith.constant 0 : i32
    %add3A_43 = arith.addi %mul3A_41, %add3A_42 : i32
    "tpu.region"() ({
      %run_scoped3A_147 = tpu.sem_alloc : memref<!tpu.dma_semaphore, #tpu.memory_space<semaphore_mem>>
      %dma_start3A_148 = tpu.memref_slice %arg2[%add3A_43] : memref<131072xi32, #tpu.memory_space<hbm>> -> memref<4096xi32, #tpu.memory_space<hbm>>
      %dma_start3A_149 = tpu.memref_slice %arg2[%add3A_43] : memref<131072xi32, #tpu.memory_space<hbm>> -> memref<4096xi32, #tpu.memory_space<hbm>>
      tpu.enqueue_dma source(%dma_start3A_149 : memref<4096xi32, #tpu.memory_space<hbm>>) target(%arg11 : memref<4096xi32, #tpu.memory_space<vmem>>) target_semaphore(%run_scoped3A_147 : memref<!tpu.dma_semaphore, #tpu.memory_space<semaphore_mem>>)
      %dma_wait3A_150 = tpu.memref_slice %arg2[%add3A_43] : memref<131072xi32, #tpu.memory_space<hbm>> -> memref<4096xi32, #tpu.memory_space<hbm>>
      %dma_wait3A_151 = tpu.memref_slice %arg2[%add3A_43] : memref<131072xi32, #tpu.memory_space<hbm>> -> memref<4096xi32, #tpu.memory_space<hbm>>
      tpu.wait_dma2 semaphore(%run_scoped3A_147 : memref<!tpu.dma_semaphore, #tpu.memory_space<semaphore_mem>>) src(%dma_wait3A_151 : memref<4096xi32, #tpu.memory_space<hbm>>) dst(%arg11 : memref<4096xi32, #tpu.memory_space<vmem>>)
      tpu.yield
    }) : () -> ()
    "tpu.region"() ({
      %run_scoped3A_147 = tpu.sem_alloc : memref<!tpu.dma_semaphore, #tpu.memory_space<semaphore_mem>>
      %dma_start3A_148 = tpu.memref_slice %arg3[%add3A_43] : memref<131072xi32, #tpu.memory_space<hbm>> -> memref<4096xi32, #tpu.memory_space<hbm>>
      %dma_start3A_149 = tpu.memref_slice %arg3[%add3A_43] : memref<131072xi32, #tpu.memory_space<hbm>> -> memref<4096xi32, #tpu.memory_space<hbm>>
      tpu.enqueue_dma source(%dma_start3A_149 : memref<4096xi32, #tpu.memory_space<hbm>>) target(%arg12 : memref<4096xi32, #tpu.memory_space<vmem>>) target_semaphore(%run_scoped3A_147 : memref<!tpu.dma_semaphore, #tpu.memory_space<semaphore_mem>>)
      %dma_wait3A_150 = tpu.memref_slice %arg3[%add3A_43] : memref<131072xi32, #tpu.memory_space<hbm>> -> memref<4096xi32, #tpu.memory_space<hbm>>
      %dma_wait3A_151 = tpu.memref_slice %arg3[%add3A_43] : memref<131072xi32, #tpu.memory_space<hbm>> -> memref<4096xi32, #tpu.memory_space<hbm>>
      tpu.wait_dma2 semaphore(%run_scoped3A_147 : memref<!tpu.dma_semaphore, #tpu.memory_space<semaphore_mem>>) src(%dma_wait3A_151 : memref<4096xi32, #tpu.memory_space<hbm>>) dst(%arg12 : memref<4096xi32, #tpu.memory_space<vmem>>)
      tpu.yield
    }) : () -> ()
    "tpu.region"() ({
      %run_scoped3A_147 = tpu.sem_alloc : memref<!tpu.dma_semaphore, #tpu.memory_space<semaphore_mem>>
      %dma_start3A_148 = tpu.memref_slice %arg4[%add3A_43] : memref<131072xi32, #tpu.memory_space<hbm>> -> memref<4096xi32, #tpu.memory_space<hbm>>
      %dma_start3A_149 = tpu.memref_slice %arg4[%add3A_43] : memref<131072xi32, #tpu.memory_space<hbm>> -> memref<4096xi32, #tpu.memory_space<hbm>>
      tpu.enqueue_dma source(%dma_start3A_149 : memref<4096xi32, #tpu.memory_space<hbm>>) target(%arg13 : memref<4096xi32, #tpu.memory_space<vmem>>) target_semaphore(%run_scoped3A_147 : memref<!tpu.dma_semaphore, #tpu.memory_space<semaphore_mem>>)
      %dma_wait3A_150 = tpu.memref_slice %arg4[%add3A_43] : memref<131072xi32, #tpu.memory_space<hbm>> -> memref<4096xi32, #tpu.memory_space<hbm>>
      %dma_wait3A_151 = tpu.memref_slice %arg4[%add3A_43] : memref<131072xi32, #tpu.memory_space<hbm>> -> memref<4096xi32, #tpu.memory_space<hbm>>
      tpu.wait_dma2 semaphore(%run_scoped3A_147 : memref<!tpu.dma_semaphore, #tpu.memory_space<semaphore_mem>>) src(%dma_wait3A_151 : memref<4096xi32, #tpu.memory_space<hbm>>) dst(%arg13 : memref<4096xi32, #tpu.memory_space<vmem>>)
      tpu.yield
    }) : () -> ()
    %scan3A_44 = arith.constant 0 : i32
    %scan3A_45 = arith.constant 0 : i32
    %scan3A_46 = arith.constant 256 : i32
    %scan3A_47 = arith.addi %scan3A_45, %scan3A_46 : i32
    %scan3A_48 = arith.constant 1 : i32
    %scan3A_49 = scf.for %scan3A_147 = %scan3A_45 to %scan3A_47 step %scan3A_48 iter_args(%scan3A_148 = %scan3A_44) -> (i32)  : i32 {
      %mul3A_149 = arith.constant 16 : i32
      %mul3A_150 = arith.muli %scan3A_147, %mul3A_149 : i32
      %get3A = arith.index_cast %mul3A_150 : i32 to index
      %get3A_151 = tpu.vector_load %arg11[%get3A] {strides = array<i32>} : memref<4096xi32, #tpu.memory_space<vmem>>, vector<16xi32>,
      %get3A_152 = arith.index_cast %mul3A_150 : i32 to index
      %get3A_153 = tpu.vector_load %arg12[%get3A_152] {strides = array<i32>} : memref<4096xi32, #tpu.memory_space<vmem>>, vector<16xi32>,
      %get3A_154 = arith.index_cast %mul3A_150 : i32 to index
      %get3A_155 = tpu.vector_load %arg13[%get3A_154] {strides = array<i32>} : memref<4096xi32, #tpu.memory_space<vmem>>, vector<16xi32>,
      %ge3A = vector.broadcast %mul3A_0 : i32 to vector<16xi32>
      %ge3A_156 = arith.cmpi sge, %get3A_155, %ge3A : vector<16xi32>
      %add3A_157 = arith.constant 1024 : i32
      %add3A_158 = arith.addi %mul3A_0, %add3A_157 : i32
      %lt3A = vector.broadcast %add3A_158 : i32 to vector<16xi32>
      %lt3A_159 = arith.cmpi slt, %get3A_155, %lt3A : vector<16xi32>
      %and3A = arith.andi %ge3A_156, %lt3A_159 : vector<16xi1>
      %ge3A_160 = arith.constant 0 : i32
      %ge3A_161 = vector.broadcast %ge3A_160 : i32 to vector<16xi32>
      %ge3A_162 = arith.cmpi sge, %get3A_151, %ge3A_161 : vector<16xi32>
      %and3A_163 = arith.andi %and3A, %ge3A_162 : vector<16xi1>
      %lt3A_164 = arith.constant 1024 : i32
      %lt3A_165 = vector.broadcast %lt3A_164 : i32 to vector<16xi32>
      %lt3A_166 = arith.cmpi slt, %get3A_151, %lt3A_165 : vector<16xi32>
      %and3A_167 = arith.andi %and3A_163, %lt3A_166 : vector<16xi1>
      %sub3A = vector.broadcast %mul3A_0 : i32 to vector<16xi32>
      %sub3A_168 = arith.subi %get3A_155, %sub3A : vector<16xi32>
      %mul3A_169 = arith.constant 1024 : i32
      %mul3A_170 = vector.broadcast %mul3A_169 : i32 to vector<16xi32>
      %mul3A_171 = arith.muli %sub3A_168, %mul3A_170 : vector<16xi32>
      %sub3A_172 = arith.constant 0 : i32
      %sub3A_173 = vector.broadcast %sub3A_172 : i32 to vector<16xi32>
      %sub3A_174 = arith.subi %get3A_151, %sub3A_173 : vector<16xi32>
      %add3A_175 = arith.addi %mul3A_171, %sub3A_174 : vector<16xi32>
      %jit3A = arith.constant 1048576 : i32
      %broadcast_in_dim3A = vector.broadcast %jit3A : i32 to vector<16xi32>
      %select_n3A = arith.select %and3A_167, %add3A_175, %broadcast_in_dim3A : vector<16xi1>, vector<16xi32>
      %mul3A_176 = arith.constant 8 : i32
      %mul3A_177 = vector.broadcast %mul3A_176 : i32 to vector<16xi32>
      %mul3A_178 = arith.muli %get3A_155, %mul3A_177 : vector<16xi32>
      %add3A_179 = arith.addi %mul3A_178, %get3A_153 : vector<16xi32>
      %gather3A = tpu.vector_load_idx %arg14[%add3A_179] : memref<16384xf32, #tpu.memory_space<vmem>>[vector<16xi32>], vector<16xf32>,
      %swap3A = arith.index_cast %mul3A_150 : i32 to index
      %swap3A_180 = tpu.vector_load %arg15[%swap3A] {strides = array<i32>} : memref<4096xi32, #tpu.memory_space<vmem>>, vector<16xi32>,
      tpu.vector_store %arg15[%swap3A], %select_n3A {strides = array<i32>} : memref<4096xi32, #tpu.memory_space<vmem>>, vector<16xi32>,
      %swap3A_181 = arith.index_cast %mul3A_150 : i32 to index
      %swap3A_182 = tpu.vector_load %arg18[%swap3A_181] {strides = array<i32>} : memref<4096xf32, #tpu.memory_space<vmem>>, vector<16xf32>,
      tpu.vector_store %arg18[%swap3A_181], %gather3A {strides = array<i32>} : memref<4096xf32, #tpu.memory_space<vmem>>, vector<16xf32>,
      %sub3A_183 = vector.broadcast %mul3A_0 : i32 to vector<16xi32>
      %sub3A_184 = arith.subi %get3A_155, %sub3A_183 : vector<16xi32>
      %mul3A_185 = arith.constant 8 : i32
      %mul3A_186 = vector.broadcast %mul3A_185 : i32 to vector<16xi32>
      %mul3A_187 = arith.muli %sub3A_184, %mul3A_186 : vector<16xi32>
      %add3A_188 = arith.addi %mul3A_187, %get3A_153 : vector<16xi32>
      %jit3A_189 = arith.constant 8192 : i32
      %broadcast_in_dim3A_190 = vector.broadcast %jit3A_189 : i32 to vector<16xi32>
      %select_n3A_191 = arith.select %and3A, %add3A_188, %broadcast_in_dim3A_190 : vector<16xi1>, vector<16xi32>
      %swap3A_192 = arith.index_cast %mul3A_150 : i32 to index
      %swap3A_193 = tpu.vector_load %arg16[%swap3A_192] {strides = array<i32>} : memref<4096xi32, #tpu.memory_space<vmem>>, vector<16xi32>,
      tpu.vector_store %arg16[%swap3A_192], %select_n3A_191 {strides = array<i32>} : memref<4096xi32, #tpu.memory_space<vmem>>, vector<16xi32>,
      %mul3A_194 = arith.constant 2048 : i32
      %mul3A_195 = vector.broadcast %mul3A_194 : i32 to vector<16xi32>
      %mul3A_196 = arith.muli %get3A_155, %mul3A_195 : vector<16xi32>
      %add3A_197 = arith.addi %mul3A_196, %get3A_151 : vector<16xi32>
      %swap3A_198 = arith.index_cast %mul3A_150 : i32 to index
      %swap3A_199 = tpu.vector_load %arg17[%swap3A_198] {strides = array<i32>} : memref<4096xi32, #tpu.memory_space<vmem>>, vector<16xi32>,
      tpu.vector_store %arg17[%swap3A_198], %add3A_197 {strides = array<i32>} : memref<4096xi32, #tpu.memory_space<vmem>>, vector<16xi32>,
      %scan3A_200 = arith.constant 0 : i32
      scf.yield %scan3A_200 : i32
    }
    %scan3A_50 = arith.constant 256 : i32
    %dma_start3A = arith.constant 0 : i32
    %dma_start3A_51 = tpu.memref_slice %arg5[%dma_start3A] : memref<4194304xf32, #tpu.memory_space<hbm>> -> memref<4194304xf32, #tpu.memory_space<hbm>>
    tpu.enqueue_indirect_dma source(%dma_start3A_51 : memref<4194304xf32, #tpu.memory_space<hbm>>) target(%arg19 : memref<4096xf32, #tpu.memory_space<vmem>>) offsets(%arg17 : memref<4096xi32, #tpu.memory_space<vmem>>) semaphore(%arg21 : memref<!tpu.dma_semaphore, #tpu.memory_space<semaphore_mem>>)
    %dma_wait3A = arith.constant 0 : i32
    %dma_wait3A_52 = tpu.memref_slice %arg5[%dma_wait3A] : memref<4194304xf32, #tpu.memory_space<hbm>> -> memref<4194304xf32, #tpu.memory_space<hbm>>
    tpu.wait_indirect_dma semaphore(%arg21 : memref<!tpu.dma_semaphore, #tpu.memory_space<semaphore_mem>>) src(%dma_wait3A_52 : memref<4194304xf32, #tpu.memory_space<hbm>>) dst(%arg19 : memref<4096xf32, #tpu.memory_space<vmem>>)
    "tpu.region"() ({
      %run_scoped3A_147 = tpu.sem_alloc : memref<!tpu.dma_semaphore, #tpu.memory_space<semaphore_mem>>
      %dma_start3A_148 = arith.constant 0 : i32
      %dma_start3A_149 = tpu.memref_slice %arg10[%dma_start3A_148] : memref<8200xf32, #tpu.memory_space<vmem_shared>> -> memref<8200xf32, #tpu.memory_space<vmem_shared>>
      tpu.enqueue_indirect_dma source(%arg19 : memref<4096xf32, #tpu.memory_space<vmem>>) target(%dma_start3A_149 : memref<8200xf32, #tpu.memory_space<vmem_shared>>) offsets(%arg16 : memref<4096xi32, #tpu.memory_space<vmem>>) semaphore(%run_scoped3A_147 : memref<!tpu.dma_semaphore, #tpu.memory_space<semaphore_mem>>) {add = true}
      %dma_wait3A_150 = arith.constant 0 : i32
      %dma_wait3A_151 = tpu.memref_slice %arg10[%dma_wait3A_150] : memref<8200xf32, #tpu.memory_space<vmem_shared>> -> memref<8200xf32, #tpu.memory_space<vmem_shared>>
      tpu.wait_indirect_dma semaphore(%run_scoped3A_147 : memref<!tpu.dma_semaphore, #tpu.memory_space<semaphore_mem>>) src(%arg19 : memref<4096xf32, #tpu.memory_space<vmem>>) dst(%dma_wait3A_151 : memref<8200xf32, #tpu.memory_space<vmem_shared>>)
      tpu.yield
    }) : () -> ()
    "tpu.region"() ({
      %run_scoped3A_147 = tpu.sem_alloc : memref<!tpu.dma_semaphore, #tpu.memory_space<semaphore_mem>>
      %dma_start3A_148 = arith.constant 0 : i32
      %dma_start3A_149 = tpu.memref_slice %arg9[%dma_start3A_148] : memref<1048584xf32, #tpu.memory_space<vmem_shared>> -> memref<1048584xf32, #tpu.memory_space<vmem_shared>>
      tpu.enqueue_indirect_dma source(%arg18 : memref<4096xf32, #tpu.memory_space<vmem>>) target(%dma_start3A_149 : memref<1048584xf32, #tpu.memory_space<vmem_shared>>) offsets(%arg15 : memref<4096xi32, #tpu.memory_space<vmem>>) semaphore(%run_scoped3A_147 : memref<!tpu.dma_semaphore, #tpu.memory_space<semaphore_mem>>) {add = true}
      %dma_wait3A_150 = arith.constant 0 : i32
      %dma_wait3A_151 = tpu.memref_slice %arg9[%dma_wait3A_150] : memref<1048584xf32, #tpu.memory_space<vmem_shared>> -> memref<1048584xf32, #tpu.memory_space<vmem_shared>>
      tpu.wait_indirect_dma semaphore(%run_scoped3A_147 : memref<!tpu.dma_semaphore, #tpu.memory_space<semaphore_mem>>) src(%arg18 : memref<4096xf32, #tpu.memory_space<vmem>>) dst(%dma_wait3A_151 : memref<1048584xf32, #tpu.memory_space<vmem_shared>>)
      tpu.yield
    }) : () -> ()
    %mul3A_53 = arith.constant 8192 : i32
    %mul3A_54 = arith.muli %arg1, %mul3A_53 : i32
    %add3A_55 = arith.constant 4096 : i32
    %add3A_56 = arith.addi %mul3A_54, %add3A_55 : i32
    "tpu.region"() ({
      %run_scoped3A_147 = tpu.sem_alloc : memref<!tpu.dma_semaphore, #tpu.memory_space<semaphore_mem>>
      %dma_start3A_148 = tpu.memref_slice %arg2[%add3A_56] : memref<131072xi32, #tpu.memory_space<hbm>> -> memref<4096xi32, #tpu.memory_space<hbm>>
      %dma_start3A_149 = tpu.memref_slice %arg2[%add3A_56] : memref<131072xi32, #tpu.memory_space<hbm>> -> memref<4096xi32, #tpu.memory_space<hbm>>
      tpu.enqueue_dma source(%dma_start3A_149 : memref<4096xi32, #tpu.memory_space<hbm>>) target(%arg11 : memref<4096xi32, #tpu.memory_space<vmem>>) target_semaphore(%run_scoped3A_147 : memref<!tpu.dma_semaphore, #tpu.memory_space<semaphore_mem>>)
      %dma_wait3A_150 = tpu.memref_slice %arg2[%add3A_56] : memref<131072xi32, #tpu.memory_space<hbm>> -> memref<4096xi32, #tpu.memory_space<hbm>>
      %dma_wait3A_151 = tpu.memref_slice %arg2[%add3A_56] : memref<131072xi32, #tpu.memory_space<hbm>> -> memref<4096xi32, #tpu.memory_space<hbm>>
      tpu.wait_dma2 semaphore(%run_scoped3A_147 : memref<!tpu.dma_semaphore, #tpu.memory_space<semaphore_mem>>) src(%dma_wait3A_151 : memref<4096xi32, #tpu.memory_space<hbm>>) dst(%arg11 : memref<4096xi32, #tpu.memory_space<vmem>>)
      tpu.yield
    }) : () -> ()
    "tpu.region"() ({
      %run_scoped3A_147 = tpu.sem_alloc : memref<!tpu.dma_semaphore, #tpu.memory_space<semaphore_mem>>
      %dma_start3A_148 = tpu.memref_slice %arg3[%add3A_56] : memref<131072xi32, #tpu.memory_space<hbm>> -> memref<4096xi32, #tpu.memory_space<hbm>>
      %dma_start3A_149 = tpu.memref_slice %arg3[%add3A_56] : memref<131072xi32, #tpu.memory_space<hbm>> -> memref<4096xi32, #tpu.memory_space<hbm>>
      tpu.enqueue_dma source(%dma_start3A_149 : memref<4096xi32, #tpu.memory_space<hbm>>) target(%arg12 : memref<4096xi32, #tpu.memory_space<vmem>>) target_semaphore(%run_scoped3A_147 : memref<!tpu.dma_semaphore, #tpu.memory_space<semaphore_mem>>)
      %dma_wait3A_150 = tpu.memref_slice %arg3[%add3A_56] : memref<131072xi32, #tpu.memory_space<hbm>> -> memref<4096xi32, #tpu.memory_space<hbm>>
      %dma_wait3A_151 = tpu.memref_slice %arg3[%add3A_56] : memref<131072xi32, #tpu.memory_space<hbm>> -> memref<4096xi32, #tpu.memory_space<hbm>>
      tpu.wait_dma2 semaphore(%run_scoped3A_147 : memref<!tpu.dma_semaphore, #tpu.memory_space<semaphore_mem>>) src(%dma_wait3A_151 : memref<4096xi32, #tpu.memory_space<hbm>>) dst(%arg12 : memref<4096xi32, #tpu.memory_space<vmem>>)
      tpu.yield
    }) : () -> ()
    "tpu.region"() ({
      %run_scoped3A_147 = tpu.sem_alloc : memref<!tpu.dma_semaphore, #tpu.memory_space<semaphore_mem>>
      %dma_start3A_148 = tpu.memref_slice %arg4[%add3A_56] : memref<131072xi32, #tpu.memory_space<hbm>> -> memref<4096xi32, #tpu.memory_space<hbm>>
      %dma_start3A_149 = tpu.memref_slice %arg4[%add3A_56] : memref<131072xi32, #tpu.memory_space<hbm>> -> memref<4096xi32, #tpu.memory_space<hbm>>
      tpu.enqueue_dma source(%dma_start3A_149 : memref<4096xi32, #tpu.memory_space<hbm>>) target(%arg13 : memref<4096xi32, #tpu.memory_space<vmem>>) target_semaphore(%run_scoped3A_147 : memref<!tpu.dma_semaphore, #tpu.memory_space<semaphore_mem>>)
      %dma_wait3A_150 = tpu.memref_slice %arg4[%add3A_56] : memref<131072xi32, #tpu.memory_space<hbm>> -> memref<4096xi32, #tpu.memory_space<hbm>>
      %dma_wait3A_151 = tpu.memref_slice %arg4[%add3A_56] : memref<131072xi32, #tpu.memory_space<hbm>> -> memref<4096xi32, #tpu.memory_space<hbm>>
      tpu.wait_dma2 semaphore(%run_scoped3A_147 : memref<!tpu.dma_semaphore, #tpu.memory_space<semaphore_mem>>) src(%dma_wait3A_151 : memref<4096xi32, #tpu.memory_space<hbm>>) dst(%arg13 : memref<4096xi32, #tpu.memory_space<vmem>>)
      tpu.yield
    }) : () -> ()
    %scan3A_57 = arith.constant 0 : i32
    %scan3A_58 = arith.constant 0 : i32
    %scan3A_59 = arith.constant 256 : i32
    %scan3A_60 = arith.addi %scan3A_58, %scan3A_59 : i32
    %scan3A_61 = arith.constant 1 : i32
    %scan3A_62 = scf.for %scan3A_147 = %scan3A_58 to %scan3A_60 step %scan3A_61 iter_args(%scan3A_148 = %scan3A_57) -> (i32)  : i32 {
      %mul3A_149 = arith.constant 16 : i32
      %mul3A_150 = arith.muli %scan3A_147, %mul3A_149 : i32
      %get3A = arith.index_cast %mul3A_150 : i32 to index
      %get3A_151 = tpu.vector_load %arg11[%get3A] {strides = array<i32>} : memref<4096xi32, #tpu.memory_space<vmem>>, vector<16xi32>,
      %get3A_152 = arith.index_cast %mul3A_150 : i32 to index
      %get3A_153 = tpu.vector_load %arg12[%get3A_152] {strides = array<i32>} : memref<4096xi32, #tpu.memory_space<vmem>>, vector<16xi32>,
      %get3A_154 = arith.index_cast %mul3A_150 : i32 to index
      %get3A_155 = tpu.vector_load %arg13[%get3A_154] {strides = array<i32>} : memref<4096xi32, #tpu.memory_space<vmem>>, vector<16xi32>,
      %ge3A = vector.broadcast %mul3A_0 : i32 to vector<16xi32>
      %ge3A_156 = arith.cmpi sge, %get3A_155, %ge3A : vector<16xi32>
      %add3A_157 = arith.constant 1024 : i32
      %add3A_158 = arith.addi %mul3A_0, %add3A_157 : i32
      %lt3A = vector.broadcast %add3A_158 : i32 to vector<16xi32>
      %lt3A_159 = arith.cmpi slt, %get3A_155, %lt3A : vector<16xi32>
      %and3A = arith.andi %ge3A_156, %lt3A_159 : vector<16xi1>
      %ge3A_160 = arith.constant 0 : i32
      %ge3A_161 = vector.broadcast %ge3A_160 : i32 to vector<16xi32>
      %ge3A_162 = arith.cmpi sge, %get3A_151, %ge3A_161 : vector<16xi32>
      %and3A_163 = arith.andi %and3A, %ge3A_162 : vector<16xi1>
      %lt3A_164 = arith.constant 1024 : i32
      %lt3A_165 = vector.broadcast %lt3A_164 : i32 to vector<16xi32>
      %lt3A_166 = arith.cmpi slt, %get3A_151, %lt3A_165 : vector<16xi32>
      %and3A_167 = arith.andi %and3A_163, %lt3A_166 : vector<16xi1>
      %sub3A = vector.broadcast %mul3A_0 : i32 to vector<16xi32>
      %sub3A_168 = arith.subi %get3A_155, %sub3A : vector<16xi32>
      %mul3A_169 = arith.constant 1024 : i32
      %mul3A_170 = vector.broadcast %mul3A_169 : i32 to vector<16xi32>
      %mul3A_171 = arith.muli %sub3A_168, %mul3A_170 : vector<16xi32>
      %sub3A_172 = arith.constant 0 : i32
      %sub3A_173 = vector.broadcast %sub3A_172 : i32 to vector<16xi32>
      %sub3A_174 = arith.subi %get3A_151, %sub3A_173 : vector<16xi32>
      %add3A_175 = arith.addi %mul3A_171, %sub3A_174 : vector<16xi32>
      %jit3A = arith.constant 1048576 : i32
      %broadcast_in_dim3A = vector.broadcast %jit3A : i32 to vector<16xi32>
      %select_n3A = arith.select %and3A_167, %add3A_175, %broadcast_in_dim3A : vector<16xi1>, vector<16xi32>
      %mul3A_176 = arith.constant 8 : i32
      %mul3A_177 = vector.broadcast %mul3A_176 : i32 to vector<16xi32>
      %mul3A_178 = arith.muli %get3A_155, %mul3A_177 : vector<16xi32>
      %add3A_179 = arith.addi %mul3A_178, %get3A_153 : vector<16xi32>
      %gather3A = tpu.vector_load_idx %arg14[%add3A_179] : memref<16384xf32, #tpu.memory_space<vmem>>[vector<16xi32>], vector<16xf32>,
      %swap3A = arith.index_cast %mul3A_150 : i32 to index
      %swap3A_180 = tpu.vector_load %arg15[%swap3A] {strides = array<i32>} : memref<4096xi32, #tpu.memory_space<vmem>>, vector<16xi32>,
      tpu.vector_store %arg15[%swap3A], %select_n3A {strides = array<i32>} : memref<4096xi32, #tpu.memory_space<vmem>>, vector<16xi32>,
      %swap3A_181 = arith.index_cast %mul3A_150 : i32 to index
      %swap3A_182 = tpu.vector_load %arg18[%swap3A_181] {strides = array<i32>} : memref<4096xf32, #tpu.memory_space<vmem>>, vector<16xf32>,
      tpu.vector_store %arg18[%swap3A_181], %gather3A {strides = array<i32>} : memref<4096xf32, #tpu.memory_space<vmem>>, vector<16xf32>,
      %sub3A_183 = vector.broadcast %mul3A_0 : i32 to vector<16xi32>
      %sub3A_184 = arith.subi %get3A_155, %sub3A_183 : vector<16xi32>
      %mul3A_185 = arith.constant 8 : i32
      %mul3A_186 = vector.broadcast %mul3A_185 : i32 to vector<16xi32>
      %mul3A_187 = arith.muli %sub3A_184, %mul3A_186 : vector<16xi32>
      %add3A_188 = arith.addi %mul3A_187, %get3A_153 : vector<16xi32>
      %jit3A_189 = arith.constant 8192 : i32
      %broadcast_in_dim3A_190 = vector.broadcast %jit3A_189 : i32 to vector<16xi32>
      %select_n3A_191 = arith.select %and3A, %add3A_188, %broadcast_in_dim3A_190 : vector<16xi1>, vector<16xi32>
      %swap3A_192 = arith.index_cast %mul3A_150 : i32 to index
      %swap3A_193 = tpu.vector_load %arg16[%swap3A_192] {strides = array<i32>} : memref<4096xi32, #tpu.memory_space<vmem>>, vector<16xi32>,
      tpu.vector_store %arg16[%swap3A_192], %select_n3A_191 {strides = array<i32>} : memref<4096xi32, #tpu.memory_space<vmem>>, vector<16xi32>,
      %mul3A_194 = arith.constant 2048 : i32
      %mul3A_195 = vector.broadcast %mul3A_194 : i32 to vector<16xi32>
      %mul3A_196 = arith.muli %get3A_155, %mul3A_195 : vector<16xi32>
      %add3A_197 = arith.addi %mul3A_196, %get3A_151 : vector<16xi32>
      %swap3A_198 = arith.index_cast %mul3A_150 : i32 to index
      %swap3A_199 = tpu.vector_load %arg17[%swap3A_198] {strides = array<i32>} : memref<4096xi32, #tpu.memory_space<vmem>>, vector<16xi32>,
      tpu.vector_store %arg17[%swap3A_198], %add3A_197 {strides = array<i32>} : memref<4096xi32, #tpu.memory_space<vmem>>, vector<16xi32>,
      %scan3A_200 = arith.constant 0 : i32
      scf.yield %scan3A_200 : i32
    }
    %scan3A_63 = arith.constant 256 : i32
    %dma_start3A_64 = arith.constant 0 : i32
    %dma_start3A_65 = tpu.memref_slice %arg5[%dma_start3A_64] : memref<4194304xf32, #tpu.memory_space<hbm>> -> memref<4194304xf32, #tpu.memory_space<hbm>>
    tpu.enqueue_indirect_dma source(%dma_start3A_65 : memref<4194304xf32, #tpu.memory_space<hbm>>) target(%arg19 : memref<4096xf32, #tpu.memory_space<vmem>>) offsets(%arg17 : memref<4096xi32, #tpu.memory_space<vmem>>) semaphore(%arg21 : memref<!tpu.dma_semaphore, #tpu.memory_space<semaphore_mem>>)
    %dma_wait3A_66 = arith.constant 0 : i32
    %dma_wait3A_67 = tpu.memref_slice %arg5[%dma_wait3A_66] : memref<4194304xf32, #tpu.memory_space<hbm>> -> memref<4194304xf32, #tpu.memory_space<hbm>>
    tpu.wait_indirect_dma semaphore(%arg21 : memref<!tpu.dma_semaphore, #tpu.memory_space<semaphore_mem>>) src(%dma_wait3A_67 : memref<4194304xf32, #tpu.memory_space<hbm>>) dst(%arg19 : memref<4096xf32, #tpu.memory_space<vmem>>)
    "tpu.region"() ({
      %run_scoped3A_147 = tpu.sem_alloc : memref<!tpu.dma_semaphore, #tpu.memory_space<semaphore_mem>>
      %dma_start3A_148 = arith.constant 0 : i32
      %dma_start3A_149 = tpu.memref_slice %arg10[%dma_start3A_148] : memref<8200xf32, #tpu.memory_space<vmem_shared>> -> memref<8200xf32, #tpu.memory_space<vmem_shared>>
      tpu.enqueue_indirect_dma source(%arg19 : memref<4096xf32, #tpu.memory_space<vmem>>) target(%dma_start3A_149 : memref<8200xf32, #tpu.memory_space<vmem_shared>>) offsets(%arg16 : memref<4096xi32, #tpu.memory_space<vmem>>) semaphore(%run_scoped3A_147 : memref<!tpu.dma_semaphore, #tpu.memory_space<semaphore_mem>>) {add = true}
      %dma_wait3A_150 = arith.constant 0 : i32
      %dma_wait3A_151 = tpu.memref_slice %arg10[%dma_wait3A_150] : memref<8200xf32, #tpu.memory_space<vmem_shared>> -> memref<8200xf32, #tpu.memory_space<vmem_shared>>
      tpu.wait_indirect_dma semaphore(%run_scoped3A_147 : memref<!tpu.dma_semaphore, #tpu.memory_space<semaphore_mem>>) src(%arg19 : memref<4096xf32, #tpu.memory_space<vmem>>) dst(%dma_wait3A_151 : memref<8200xf32, #tpu.memory_space<vmem_shared>>)
      tpu.yield
    }) : () -> ()
    "tpu.region"() ({
      %run_scoped3A_147 = tpu.sem_alloc : memref<!tpu.dma_semaphore, #tpu.memory_space<semaphore_mem>>
      %dma_start3A_148 = arith.constant 0 : i32
      %dma_start3A_149 = tpu.memref_slice %arg9[%dma_start3A_148] : memref<1048584xf32, #tpu.memory_space<vmem_shared>> -> memref<1048584xf32, #tpu.memory_space<vmem_shared>>
      tpu.enqueue_indirect_dma source(%arg18 : memref<4096xf32, #tpu.memory_space<vmem>>) target(%dma_start3A_149 : memref<1048584xf32, #tpu.memory_space<vmem_shared>>) offsets(%arg15 : memref<4096xi32, #tpu.memory_space<vmem>>) semaphore(%run_scoped3A_147 : memref<!tpu.dma_semaphore, #tpu.memory_space<semaphore_mem>>) {add = true}
      %dma_wait3A_150 = arith.constant 0 : i32
      %dma_wait3A_151 = tpu.memref_slice %arg9[%dma_wait3A_150] : memref<1048584xf32, #tpu.memory_space<vmem_shared>> -> memref<1048584xf32, #tpu.memory_space<vmem_shared>>
      tpu.wait_indirect_dma semaphore(%run_scoped3A_147 : memref<!tpu.dma_semaphore, #tpu.memory_space<semaphore_mem>>) src(%arg18 : memref<4096xf32, #tpu.memory_space<vmem>>) dst(%dma_wait3A_151 : memref<1048584xf32, #tpu.memory_space<vmem_shared>>)
      tpu.yield
    }) : () -> ()
    %barrier3A_68 = arith.constant 0 : index
    tpu.barrier barrier_id(%barrier3A_68)
    %mul3A_69 = arith.constant 65536 : i32
    %mul3A_70 = arith.muli %arg1, %mul3A_69 : i32
    %mul3A_71 = arith.constant 64 : i32
    %mul3A_72 = arith.muli %arg1, %mul3A_71 : i32
    %add3A_73 = arith.addi %mul3A_0, %mul3A_72 : i32
    %mul3A_74 = arith.constant 1024 : i32
    %mul3A_75 = arith.muli %add3A_73, %mul3A_74 : i32
    %run_scoped3A = arith.constant 0 : i32
    "tpu.region"() ({
      %run_scoped3A_147 = tpu.sem_alloc : memref<!tpu.dma_semaphore, #tpu.memory_space<semaphore_mem>>
      %dma_start3A_148 = tpu.memref_slice %arg7[%run_scoped3A, %mul3A_75] : memref<2x2097152xf32, #tpu.memory_space<hbm>> -> memref<1x65536xf32, #tpu.memory_space<hbm>>
      %dma_start3A_149 = tpu.memref_squeeze %dma_start3A_148 : memref<1x65536xf32, #tpu.memory_space<hbm>> -> memref<65536xf32, #tpu.memory_space<hbm>>
      %dma_start3A_150 = tpu.memref_slice %arg9[%mul3A_70] : memref<1048584xf32, #tpu.memory_space<vmem_shared>> -> memref<65536xf32, #tpu.memory_space<vmem_shared>>
      tpu.enqueue_dma source(%dma_start3A_150 : memref<65536xf32, #tpu.memory_space<vmem_shared>>) target(%dma_start3A_149 : memref<65536xf32, #tpu.memory_space<hbm>>) target_semaphore(%run_scoped3A_147 : memref<!tpu.dma_semaphore, #tpu.memory_space<semaphore_mem>>)
      %dma_wait3A_151 = tpu.memref_slice %arg7[%run_scoped3A, %mul3A_75] : memref<2x2097152xf32, #tpu.memory_space<hbm>> -> memref<1x65536xf32, #tpu.memory_space<hbm>>
      %dma_wait3A_152 = tpu.memref_squeeze %dma_wait3A_151 : memref<1x65536xf32, #tpu.memory_space<hbm>> -> memref<65536xf32, #tpu.memory_space<hbm>>
      %dma_wait3A_153 = tpu.memref_slice %arg9[%mul3A_70] : memref<1048584xf32, #tpu.memory_space<vmem_shared>> -> memref<65536xf32, #tpu.memory_space<vmem_shared>>
      tpu.wait_dma2 semaphore(%run_scoped3A_147 : memref<!tpu.dma_semaphore, #tpu.memory_space<semaphore_mem>>) src(%dma_wait3A_153 : memref<65536xf32, #tpu.memory_space<vmem_shared>>) dst(%dma_wait3A_152 : memref<65536xf32, #tpu.memory_space<hbm>>)
      tpu.yield
    }) : () -> ()
    %barrier3A_76 = arith.constant 0 : index
    tpu.barrier barrier_id(%barrier3A_76)
    %mul3A_77 = arith.constant 65536 : i32
    %mul3A_78 = arith.muli %arg1, %mul3A_77 : i32
    %add3A_79 = arith.constant 0 : i32
    %add3A_80 = arith.addi %mul3A_78, %add3A_79 : i32
    "tpu.region"() ({
      %run_scoped3A_147 = tpu.sem_alloc : memref<!tpu.dma_semaphore, #tpu.memory_space<semaphore_mem>>
      %dma_start3A_148 = tpu.memref_slice %arg9[%add3A_80] : memref<1048584xf32, #tpu.memory_space<vmem_shared>> -> memref<8192xf32, #tpu.memory_space<vmem_shared>>
      %dma_start3A_149 = tpu.memref_slice %arg9[%add3A_80] : memref<1048584xf32, #tpu.memory_space<vmem_shared>> -> memref<8192xf32, #tpu.memory_space<vmem_shared>>
      tpu.enqueue_dma source(%arg20 : memref<8192xf32, #tpu.memory_space<vmem>>) target(%dma_start3A_149 : memref<8192xf32, #tpu.memory_space<vmem_shared>>) target_semaphore(%run_scoped3A_147 : memref<!tpu.dma_semaphore, #tpu.memory_space<semaphore_mem>>)
      %dma_wait3A_150 = tpu.memref_slice %arg9[%add3A_80] : memref<1048584xf32, #tpu.memory_space<vmem_shared>> -> memref<8192xf32, #tpu.memory_space<vmem_shared>>
      %dma_wait3A_151 = tpu.memref_slice %arg9[%add3A_80] : memref<1048584xf32, #tpu.memory_space<vmem_shared>> -> memref<8192xf32, #tpu.memory_space<vmem_shared>>
      tpu.wait_dma2 semaphore(%run_scoped3A_147 : memref<!tpu.dma_semaphore, #tpu.memory_space<semaphore_mem>>) src(%arg20 : memref<8192xf32, #tpu.memory_space<vmem>>) dst(%dma_wait3A_151 : memref<8192xf32, #tpu.memory_space<vmem_shared>>)
      tpu.yield
    }) : () -> ()
    %mul3A_81 = arith.constant 65536 : i32
    %mul3A_82 = arith.muli %arg1, %mul3A_81 : i32
    %add3A_83 = arith.constant 8192 : i32
    %add3A_84 = arith.addi %mul3A_82, %add3A_83 : i32
    "tpu.region"() ({
      %run_scoped3A_147 = tpu.sem_alloc : memref<!tpu.dma_semaphore, #tpu.memory_space<semaphore_mem>>
      %dma_start3A_148 = tpu.memref_slice %arg9[%add3A_84] : memref<1048584xf32, #tpu.memory_space<vmem_shared>> -> memref<8192xf32, #tpu.memory_space<vmem_shared>>
      %dma_start3A_149 = tpu.memref_slice %arg9[%add3A_84] : memref<1048584xf32, #tpu.memory_space<vmem_shared>> -> memref<8192xf32, #tpu.memory_space<vmem_shared>>
      tpu.enqueue_dma source(%arg20 : memref<8192xf32, #tpu.memory_space<vmem>>) target(%dma_start3A_149 : memref<8192xf32, #tpu.memory_space<vmem_shared>>) target_semaphore(%run_scoped3A_147 : memref<!tpu.dma_semaphore, #tpu.memory_space<semaphore_mem>>)
      %dma_wait3A_150 = tpu.memref_slice %arg9[%add3A_84] : memref<1048584xf32, #tpu.memory_space<vmem_shared>> -> memref<8192xf32, #tpu.memory_space<vmem_shared>>
      %dma_wait3A_151 = tpu.memref_slice %arg9[%add3A_84] : memref<1048584xf32, #tpu.memory_space<vmem_shared>> -> memref<8192xf32, #tpu.memory_space<vmem_shared>>
      tpu.wait_dma2 semaphore(%run_scoped3A_147 : memref<!tpu.dma_semaphore, #tpu.memory_space<semaphore_mem>>) src(%arg20 : memref<8192xf32, #tpu.memory_space<vmem>>) dst(%dma_wait3A_151 : memref<8192xf32, #tpu.memory_space<vmem_shared>>)
      tpu.yield
    }) : () -> ()
    %mul3A_85 = arith.constant 65536 : i32
    %mul3A_86 = arith.muli %arg1, %mul3A_85 : i32
    %add3A_87 = arith.constant 16384 : i32
    %add3A_88 = arith.addi %mul3A_86, %add3A_87 : i32
    "tpu.region"() ({
      %run_scoped3A_147 = tpu.sem_alloc : memref<!tpu.dma_semaphore, #tpu.memory_space<semaphore_mem>>
      %dma_start3A_148 = tpu.memref_slice %arg9[%add3A_88] : memref<1048584xf32, #tpu.memory_space<vmem_shared>> -> memref<8192xf32, #tpu.memory_space<vmem_shared>>
      %dma_start3A_149 = tpu.memref_slice %arg9[%add3A_88] : memref<1048584xf32, #tpu.memory_space<vmem_shared>> -> memref<8192xf32, #tpu.memory_space<vmem_shared>>
      tpu.enqueue_dma source(%arg20 : memref<8192xf32, #tpu.memory_space<vmem>>) target(%dma_start3A_149 : memref<8192xf32, #tpu.memory_space<vmem_shared>>) target_semaphore(%run_scoped3A_147 : memref<!tpu.dma_semaphore, #tpu.memory_space<semaphore_mem>>)
      %dma_wait3A_150 = tpu.memref_slice %arg9[%add3A_88] : memref<1048584xf32, #tpu.memory_space<vmem_shared>> -> memref<8192xf32, #tpu.memory_space<vmem_shared>>
      %dma_wait3A_151 = tpu.memref_slice %arg9[%add3A_88] : memref<1048584xf32, #tpu.memory_space<vmem_shared>> -> memref<8192xf32, #tpu.memory_space<vmem_shared>>
      tpu.wait_dma2 semaphore(%run_scoped3A_147 : memref<!tpu.dma_semaphore, #tpu.memory_space<semaphore_mem>>) src(%arg20 : memref<8192xf32, #tpu.memory_space<vmem>>) dst(%dma_wait3A_151 : memref<8192xf32, #tpu.memory_space<vmem_shared>>)
      tpu.yield
    }) : () -> ()
    %mul3A_89 = arith.constant 65536 : i32
    %mul3A_90 = arith.muli %arg1, %mul3A_89 : i32
    %add3A_91 = arith.constant 24576 : i32
    %add3A_92 = arith.addi %mul3A_90, %add3A_91 : i32
    "tpu.region"() ({
      %run_scoped3A_147 = tpu.sem_alloc : memref<!tpu.dma_semaphore, #tpu.memory_space<semaphore_mem>>
      %dma_start3A_148 = tpu.memref_slice %arg9[%add3A_92] : memref<1048584xf32, #tpu.memory_space<vmem_shared>> -> memref<8192xf32, #tpu.memory_space<vmem_shared>>
      %dma_start3A_149 = tpu.memref_slice %arg9[%add3A_92] : memref<1048584xf32, #tpu.memory_space<vmem_shared>> -> memref<8192xf32, #tpu.memory_space<vmem_shared>>
      tpu.enqueue_dma source(%arg20 : memref<8192xf32, #tpu.memory_space<vmem>>) target(%dma_start3A_149 : memref<8192xf32, #tpu.memory_space<vmem_shared>>) target_semaphore(%run_scoped3A_147 : memref<!tpu.dma_semaphore, #tpu.memory_space<semaphore_mem>>)
      %dma_wait3A_150 = tpu.memref_slice %arg9[%add3A_92] : memref<1048584xf32, #tpu.memory_space<vmem_shared>> -> memref<8192xf32, #tpu.memory_space<vmem_shared>>
      %dma_wait3A_151 = tpu.memref_slice %arg9[%add3A_92] : memref<1048584xf32, #tpu.memory_space<vmem_shared>> -> memref<8192xf32, #tpu.memory_space<vmem_shared>>
      tpu.wait_dma2 semaphore(%run_scoped3A_147 : memref<!tpu.dma_semaphore, #tpu.memory_space<semaphore_mem>>) src(%arg20 : memref<8192xf32, #tpu.memory_space<vmem>>) dst(%dma_wait3A_151 : memref<8192xf32, #tpu.memory_space<vmem_shared>>)
      tpu.yield
    }) : () -> ()
    %mul3A_93 = arith.constant 65536 : i32
    %mul3A_94 = arith.muli %arg1, %mul3A_93 : i32
    %add3A_95 = arith.constant 32768 : i32
    %add3A_96 = arith.addi %mul3A_94, %add3A_95 : i32
    "tpu.region"() ({
      %run_scoped3A_147 = tpu.sem_alloc : memref<!tpu.dma_semaphore, #tpu.memory_space<semaphore_mem>>
      %dma_start3A_148 = tpu.memref_slice %arg9[%add3A_96] : memref<1048584xf32, #tpu.memory_space<vmem_shared>> -> memref<8192xf32, #tpu.memory_space<vmem_shared>>
      %dma_start3A_149 = tpu.memref_slice %arg9[%add3A_96] : memref<1048584xf32, #tpu.memory_space<vmem_shared>> -> memref<8192xf32, #tpu.memory_space<vmem_shared>>
      tpu.enqueue_dma source(%arg20 : memref<8192xf32, #tpu.memory_space<vmem>>) target(%dma_start3A_149 : memref<8192xf32, #tpu.memory_space<vmem_shared>>) target_semaphore(%run_scoped3A_147 : memref<!tpu.dma_semaphore, #tpu.memory_space<semaphore_mem>>)
      %dma_wait3A_150 = tpu.memref_slice %arg9[%add3A_96] : memref<1048584xf32, #tpu.memory_space<vmem_shared>> -> memref<8192xf32, #tpu.memory_space<vmem_shared>>
      %dma_wait3A_151 = tpu.memref_slice %arg9[%add3A_96] : memref<1048584xf32, #tpu.memory_space<vmem_shared>> -> memref<8192xf32, #tpu.memory_space<vmem_shared>>
      tpu.wait_dma2 semaphore(%run_scoped3A_147 : memref<!tpu.dma_semaphore, #tpu.memory_space<semaphore_mem>>) src(%arg20 : memref<8192xf32, #tpu.memory_space<vmem>>) dst(%dma_wait3A_151 : memref<8192xf32, #tpu.memory_space<vmem_shared>>)
      tpu.yield
    }) : () -> ()
    %mul3A_97 = arith.constant 65536 : i32
    %mul3A_98 = arith.muli %arg1, %mul3A_97 : i32
    %add3A_99 = arith.constant 40960 : i32
    %add3A_100 = arith.addi %mul3A_98, %add3A_99 : i32
    "tpu.region"() ({
      %run_scoped3A_147 = tpu.sem_alloc : memref<!tpu.dma_semaphore, #tpu.memory_space<semaphore_mem>>
      %dma_start3A_148 = tpu.memref_slice %arg9[%add3A_100] : memref<1048584xf32, #tpu.memory_space<vmem_shared>> -> memref<8192xf32, #tpu.memory_space<vmem_shared>>
      %dma_start3A_149 = tpu.memref_slice %arg9[%add3A_100] : memref<1048584xf32, #tpu.memory_space<vmem_shared>> -> memref<8192xf32, #tpu.memory_space<vmem_shared>>
      tpu.enqueue_dma source(%arg20 : memref<8192xf32, #tpu.memory_space<vmem>>) target(%dma_start3A_149 : memref<8192xf32, #tpu.memory_space<vmem_shared>>) target_semaphore(%run_scoped3A_147 : memref<!tpu.dma_semaphore, #tpu.memory_space<semaphore_mem>>)
      %dma_wait3A_150 = tpu.memref_slice %arg9[%add3A_100] : memref<1048584xf32, #tpu.memory_space<vmem_shared>> -> memref<8192xf32, #tpu.memory_space<vmem_shared>>
      %dma_wait3A_151 = tpu.memref_slice %arg9[%add3A_100] : memref<1048584xf32, #tpu.memory_space<vmem_shared>> -> memref<8192xf32, #tpu.memory_space<vmem_shared>>
      tpu.wait_dma2 semaphore(%run_scoped3A_147 : memref<!tpu.dma_semaphore, #tpu.memory_space<semaphore_mem>>) src(%arg20 : memref<8192xf32, #tpu.memory_space<vmem>>) dst(%dma_wait3A_151 : memref<8192xf32, #tpu.memory_space<vmem_shared>>)
      tpu.yield
    }) : () -> ()
    %mul3A_101 = arith.constant 65536 : i32
    %mul3A_102 = arith.muli %arg1, %mul3A_101 : i32
    %add3A_103 = arith.constant 49152 : i32
    %add3A_104 = arith.addi %mul3A_102, %add3A_103 : i32
    "tpu.region"() ({
      %run_scoped3A_147 = tpu.sem_alloc : memref<!tpu.dma_semaphore, #tpu.memory_space<semaphore_mem>>
      %dma_start3A_148 = tpu.memref_slice %arg9[%add3A_104] : memref<1048584xf32, #tpu.memory_space<vmem_shared>> -> memref<8192xf32, #tpu.memory_space<vmem_shared>>
      %dma_start3A_149 = tpu.memref_slice %arg9[%add3A_104] : memref<1048584xf32, #tpu.memory_space<vmem_shared>> -> memref<8192xf32, #tpu.memory_space<vmem_shared>>
      tpu.enqueue_dma source(%arg20 : memref<8192xf32, #tpu.memory_space<vmem>>) target(%dma_start3A_149 : memref<8192xf32, #tpu.memory_space<vmem_shared>>) target_semaphore(%run_scoped3A_147 : memref<!tpu.dma_semaphore, #tpu.memory_space<semaphore_mem>>)
      %dma_wait3A_150 = tpu.memref_slice %arg9[%add3A_104] : memref<1048584xf32, #tpu.memory_space<vmem_shared>> -> memref<8192xf32, #tpu.memory_space<vmem_shared>>
      %dma_wait3A_151 = tpu.memref_slice %arg9[%add3A_104] : memref<1048584xf32, #tpu.memory_space<vmem_shared>> -> memref<8192xf32, #tpu.memory_space<vmem_shared>>
      tpu.wait_dma2 semaphore(%run_scoped3A_147 : memref<!tpu.dma_semaphore, #tpu.memory_space<semaphore_mem>>) src(%arg20 : memref<8192xf32, #tpu.memory_space<vmem>>) dst(%dma_wait3A_151 : memref<8192xf32, #tpu.memory_space<vmem_shared>>)
      tpu.yield
    }) : () -> ()
    %mul3A_105 = arith.constant 65536 : i32
    %mul3A_106 = arith.muli %arg1, %mul3A_105 : i32
    %add3A_107 = arith.constant 57344 : i32
    %add3A_108 = arith.addi %mul3A_106, %add3A_107 : i32
    "tpu.region"() ({
      %run_scoped3A_147 = tpu.sem_alloc : memref<!tpu.dma_semaphore, #tpu.memory_space<semaphore_mem>>
      %dma_start3A_148 = tpu.memref_slice %arg9[%add3A_108] : memref<1048584xf32, #tpu.memory_space<vmem_shared>> -> memref<8192xf32, #tpu.memory_space<vmem_shared>>
      %dma_start3A_149 = tpu.memref_slice %arg9[%add3A_108] : memref<1048584xf32, #tpu.memory_space<vmem_shared>> -> memref<8192xf32, #tpu.memory_space<vmem_shared>>
      tpu.enqueue_dma source(%arg20 : memref<8192xf32, #tpu.memory_space<vmem>>) target(%dma_start3A_149 : memref<8192xf32, #tpu.memory_space<vmem_shared>>) target_semaphore(%run_scoped3A_147 : memref<!tpu.dma_semaphore, #tpu.memory_space<semaphore_mem>>)
      %dma_wait3A_150 = tpu.memref_slice %arg9[%add3A_108] : memref<1048584xf32, #tpu.memory_space<vmem_shared>> -> memref<8192xf32, #tpu.memory_space<vmem_shared>>
      %dma_wait3A_151 = tpu.memref_slice %arg9[%add3A_108] : memref<1048584xf32, #tpu.memory_space<vmem_shared>> -> memref<8192xf32, #tpu.memory_space<vmem_shared>>
      tpu.wait_dma2 semaphore(%run_scoped3A_147 : memref<!tpu.dma_semaphore, #tpu.memory_space<semaphore_mem>>) src(%arg20 : memref<8192xf32, #tpu.memory_space<vmem>>) dst(%dma_wait3A_151 : memref<8192xf32, #tpu.memory_space<vmem_shared>>)
      tpu.yield
    }) : () -> ()
    %barrier3A_109 = arith.constant 0 : index
    tpu.barrier barrier_id(%barrier3A_109)
    %mul3A_110 = arith.constant 8192 : i32
    %mul3A_111 = arith.muli %arg1, %mul3A_110 : i32
    %add3A_112 = arith.constant 0 : i32
    %add3A_113 = arith.addi %mul3A_111, %add3A_112 : i32
    "tpu.region"() ({
      %run_scoped3A_147 = tpu.sem_alloc : memref<!tpu.dma_semaphore, #tpu.memory_space<semaphore_mem>>
      %dma_start3A_148 = tpu.memref_slice %arg2[%add3A_113] : memref<131072xi32, #tpu.memory_space<hbm>> -> memref<4096xi32, #tpu.memory_space<hbm>>
      %dma_start3A_149 = tpu.memref_slice %arg2[%add3A_113] : memref<131072xi32, #tpu.memory_space<hbm>> -> memref<4096xi32, #tpu.memory_space<hbm>>
      tpu.enqueue_dma source(%dma_start3A_149 : memref<4096xi32, #tpu.memory_space<hbm>>) target(%arg11 : memref<4096xi32, #tpu.memory_space<vmem>>) target_semaphore(%run_scoped3A_147 : memref<!tpu.dma_semaphore, #tpu.memory_space<semaphore_mem>>)
      %dma_wait3A_150 = tpu.memref_slice %arg2[%add3A_113] : memref<131072xi32, #tpu.memory_space<hbm>> -> memref<4096xi32, #tpu.memory_space<hbm>>
      %dma_wait3A_151 = tpu.memref_slice %arg2[%add3A_113] : memref<131072xi32, #tpu.memory_space<hbm>> -> memref<4096xi32, #tpu.memory_space<hbm>>
      tpu.wait_dma2 semaphore(%run_scoped3A_147 : memref<!tpu.dma_semaphore, #tpu.memory_space<semaphore_mem>>) src(%dma_wait3A_151 : memref<4096xi32, #tpu.memory_space<hbm>>) dst(%arg11 : memref<4096xi32, #tpu.memory_space<vmem>>)
      tpu.yield
    }) : () -> ()
    "tpu.region"() ({
      %run_scoped3A_147 = tpu.sem_alloc : memref<!tpu.dma_semaphore, #tpu.memory_space<semaphore_mem>>
      %dma_start3A_148 = tpu.memref_slice %arg3[%add3A_113] : memref<131072xi32, #tpu.memory_space<hbm>> -> memref<4096xi32, #tpu.memory_space<hbm>>
      %dma_start3A_149 = tpu.memref_slice %arg3[%add3A_113] : memref<131072xi32, #tpu.memory_space<hbm>> -> memref<4096xi32, #tpu.memory_space<hbm>>
      tpu.enqueue_dma source(%dma_start3A_149 : memref<4096xi32, #tpu.memory_space<hbm>>) target(%arg12 : memref<4096xi32, #tpu.memory_space<vmem>>) target_semaphore(%run_scoped3A_147 : memref<!tpu.dma_semaphore, #tpu.memory_space<semaphore_mem>>)
      %dma_wait3A_150 = tpu.memref_slice %arg3[%add3A_113] : memref<131072xi32, #tpu.memory_space<hbm>> -> memref<4096xi32, #tpu.memory_space<hbm>>
      %dma_wait3A_151 = tpu.memref_slice %arg3[%add3A_113] : memref<131072xi32, #tpu.memory_space<hbm>> -> memref<4096xi32, #tpu.memory_space<hbm>>
      tpu.wait_dma2 semaphore(%run_scoped3A_147 : memref<!tpu.dma_semaphore, #tpu.memory_space<semaphore_mem>>) src(%dma_wait3A_151 : memref<4096xi32, #tpu.memory_space<hbm>>) dst(%arg12 : memref<4096xi32, #tpu.memory_space<vmem>>)
      tpu.yield
    }) : () -> ()
    "tpu.region"() ({
      %run_scoped3A_147 = tpu.sem_alloc : memref<!tpu.dma_semaphore, #tpu.memory_space<semaphore_mem>>
      %dma_start3A_148 = tpu.memref_slice %arg4[%add3A_113] : memref<131072xi32, #tpu.memory_space<hbm>> -> memref<4096xi32, #tpu.memory_space<hbm>>
      %dma_start3A_149 = tpu.memref_slice %arg4[%add3A_113] : memref<131072xi32, #tpu.memory_space<hbm>> -> memref<4096xi32, #tpu.memory_space<hbm>>
      tpu.enqueue_dma source(%dma_start3A_149 : memref<4096xi32, #tpu.memory_space<hbm>>) target(%arg13 : memref<4096xi32, #tpu.memory_space<vmem>>) target_semaphore(%run_scoped3A_147 : memref<!tpu.dma_semaphore, #tpu.memory_space<semaphore_mem>>)
      %dma_wait3A_150 = tpu.memref_slice %arg4[%add3A_113] : memref<131072xi32, #tpu.memory_space<hbm>> -> memref<4096xi32, #tpu.memory_space<hbm>>
      %dma_wait3A_151 = tpu.memref_slice %arg4[%add3A_113] : memref<131072xi32, #tpu.memory_space<hbm>> -> memref<4096xi32, #tpu.memory_space<hbm>>
      tpu.wait_dma2 semaphore(%run_scoped3A_147 : memref<!tpu.dma_semaphore, #tpu.memory_space<semaphore_mem>>) src(%dma_wait3A_151 : memref<4096xi32, #tpu.memory_space<hbm>>) dst(%arg13 : memref<4096xi32, #tpu.memory_space<vmem>>)
      tpu.yield
    }) : () -> ()
    %scan3A_114 = arith.constant 0 : i32
    %scan3A_115 = arith.constant 0 : i32
    %scan3A_116 = arith.constant 256 : i32
    %scan3A_117 = arith.addi %scan3A_115, %scan3A_116 : i32
    %scan3A_118 = arith.constant 1 : i32
    %scan3A_119 = scf.for %scan3A_147 = %scan3A_115 to %scan3A_117 step %scan3A_118 iter_args(%scan3A_148 = %scan3A_114) -> (i32)  : i32 {
      %mul3A_149 = arith.constant 16 : i32
      %mul3A_150 = arith.muli %scan3A_147, %mul3A_149 : i32
      %get3A = arith.index_cast %mul3A_150 : i32 to index
      %get3A_151 = tpu.vector_load %arg11[%get3A] {strides = array<i32>} : memref<4096xi32, #tpu.memory_space<vmem>>, vector<16xi32>,
      %get3A_152 = arith.index_cast %mul3A_150 : i32 to index
      %get3A_153 = tpu.vector_load %arg12[%get3A_152] {strides = array<i32>} : memref<4096xi32, #tpu.memory_space<vmem>>, vector<16xi32>,
      %get3A_154 = arith.index_cast %mul3A_150 : i32 to index
      %get3A_155 = tpu.vector_load %arg13[%get3A_154] {strides = array<i32>} : memref<4096xi32, #tpu.memory_space<vmem>>, vector<16xi32>,
      %ge3A = vector.broadcast %mul3A_0 : i32 to vector<16xi32>
      %ge3A_156 = arith.cmpi sge, %get3A_155, %ge3A : vector<16xi32>
      %add3A_157 = arith.constant 1024 : i32
      %add3A_158 = arith.addi %mul3A_0, %add3A_157 : i32
      %lt3A = vector.broadcast %add3A_158 : i32 to vector<16xi32>
      %lt3A_159 = arith.cmpi slt, %get3A_155, %lt3A : vector<16xi32>
      %and3A = arith.andi %ge3A_156, %lt3A_159 : vector<16xi1>
      %ge3A_160 = arith.constant 1024 : i32
      %ge3A_161 = vector.broadcast %ge3A_160 : i32 to vector<16xi32>
      %ge3A_162 = arith.cmpi sge, %get3A_151, %ge3A_161 : vector<16xi32>
      %and3A_163 = arith.andi %and3A, %ge3A_162 : vector<16xi1>
      %lt3A_164 = arith.constant 2048 : i32
      %lt3A_165 = vector.broadcast %lt3A_164 : i32 to vector<16xi32>
      %lt3A_166 = arith.cmpi slt, %get3A_151, %lt3A_165 : vector<16xi32>
      %and3A_167 = arith.andi %and3A_163, %lt3A_166 : vector<16xi1>
      %sub3A = vector.broadcast %mul3A_0 : i32 to vector<16xi32>
      %sub3A_168 = arith.subi %get3A_155, %sub3A : vector<16xi32>
      %mul3A_169 = arith.constant 1024 : i32
      %mul3A_170 = vector.broadcast %mul3A_169 : i32 to vector<16xi32>
      %mul3A_171 = arith.muli %sub3A_168, %mul3A_170 : vector<16xi32>
      %sub3A_172 = arith.constant 1024 : i32
      %sub3A_173 = vector.broadcast %sub3A_172 : i32 to vector<16xi32>
      %sub3A_174 = arith.subi %get3A_151, %sub3A_173 : vector<16xi32>
      %add3A_175 = arith.addi %mul3A_171, %sub3A_174 : vector<16xi32>
      %jit3A = arith.constant 1048576 : i32
      %broadcast_in_dim3A = vector.broadcast %jit3A : i32 to vector<16xi32>
      %select_n3A = arith.select %and3A_167, %add3A_175, %broadcast_in_dim3A : vector<16xi1>, vector<16xi32>
      %mul3A_176 = arith.constant 8 : i32
      %mul3A_177 = vector.broadcast %mul3A_176 : i32 to vector<16xi32>
      %mul3A_178 = arith.muli %get3A_155, %mul3A_177 : vector<16xi32>
      %add3A_179 = arith.addi %mul3A_178, %get3A_153 : vector<16xi32>
      %gather3A = tpu.vector_load_idx %arg14[%add3A_179] : memref<16384xf32, #tpu.memory_space<vmem>>[vector<16xi32>], vector<16xf32>,
      %swap3A = arith.index_cast %mul3A_150 : i32 to index
      %swap3A_180 = tpu.vector_load %arg15[%swap3A] {strides = array<i32>} : memref<4096xi32, #tpu.memory_space<vmem>>, vector<16xi32>,
      tpu.vector_store %arg15[%swap3A], %select_n3A {strides = array<i32>} : memref<4096xi32, #tpu.memory_space<vmem>>, vector<16xi32>,
      %swap3A_181 = arith.index_cast %mul3A_150 : i32 to index
      %swap3A_182 = tpu.vector_load %arg18[%swap3A_181] {strides = array<i32>} : memref<4096xf32, #tpu.memory_space<vmem>>, vector<16xf32>,
      tpu.vector_store %arg18[%swap3A_181], %gather3A {strides = array<i32>} : memref<4096xf32, #tpu.memory_space<vmem>>, vector<16xf32>,
      %scan3A_183 = arith.constant 0 : i32
      scf.yield %scan3A_183 : i32
    }
    %scan3A_120 = arith.constant 256 : i32
    "tpu.region"() ({
      %run_scoped3A_147 = tpu.sem_alloc : memref<!tpu.dma_semaphore, #tpu.memory_space<semaphore_mem>>
      %dma_start3A_148 = arith.constant 0 : i32
      %dma_start3A_149 = tpu.memref_slice %arg9[%dma_start3A_148] : memref<1048584xf32, #tpu.memory_space<vmem_shared>> -> memref<1048584xf32, #tpu.memory_space<vmem_shared>>
      tpu.enqueue_indirect_dma source(%arg18 : memref<4096xf32, #tpu.memory_space<vmem>>) target(%dma_start3A_149 : memref<1048584xf32, #tpu.memory_space<vmem_shared>>) offsets(%arg15 : memref<4096xi32, #tpu.memory_space<vmem>>) semaphore(%run_scoped3A_147 : memref<!tpu.dma_semaphore, #tpu.memory_space<semaphore_mem>>) {add = true}
      %dma_wait3A_150 = arith.constant 0 : i32
      %dma_wait3A_151 = tpu.memref_slice %arg9[%dma_wait3A_150] : memref<1048584xf32, #tpu.memory_space<vmem_shared>> -> memref<1048584xf32, #tpu.memory_space<vmem_shared>>
      tpu.wait_indirect_dma semaphore(%run_scoped3A_147 : memref<!tpu.dma_semaphore, #tpu.memory_space<semaphore_mem>>) src(%arg18 : memref<4096xf32, #tpu.memory_space<vmem>>) dst(%dma_wait3A_151 : memref<1048584xf32, #tpu.memory_space<vmem_shared>>)
      tpu.yield
    }) : () -> ()
    %mul3A_121 = arith.constant 8192 : i32
    %mul3A_122 = arith.muli %arg1, %mul3A_121 : i32
    %add3A_123 = arith.constant 4096 : i32
    %add3A_124 = arith.addi %mul3A_122, %add3A_123 : i32
    "tpu.region"() ({
      %run_scoped3A_147 = tpu.sem_alloc : memref<!tpu.dma_semaphore, #tpu.memory_space<semaphore_mem>>
      %dma_start3A_148 = tpu.memref_slice %arg2[%add3A_124] : memref<131072xi32, #tpu.memory_space<hbm>> -> memref<4096xi32, #tpu.memory_space<hbm>>
      %dma_start3A_149 = tpu.memref_slice %arg2[%add3A_124] : memref<131072xi32, #tpu.memory_space<hbm>> -> memref<4096xi32, #tpu.memory_space<hbm>>
      tpu.enqueue_dma source(%dma_start3A_149 : memref<4096xi32, #tpu.memory_space<hbm>>) target(%arg11 : memref<4096xi32, #tpu.memory_space<vmem>>) target_semaphore(%run_scoped3A_147 : memref<!tpu.dma_semaphore, #tpu.memory_space<semaphore_mem>>)
      %dma_wait3A_150 = tpu.memref_slice %arg2[%add3A_124] : memref<131072xi32, #tpu.memory_space<hbm>> -> memref<4096xi32, #tpu.memory_space<hbm>>
      %dma_wait3A_151 = tpu.memref_slice %arg2[%add3A_124] : memref<131072xi32, #tpu.memory_space<hbm>> -> memref<4096xi32, #tpu.memory_space<hbm>>
      tpu.wait_dma2 semaphore(%run_scoped3A_147 : memref<!tpu.dma_semaphore, #tpu.memory_space<semaphore_mem>>) src(%dma_wait3A_151 : memref<4096xi32, #tpu.memory_space<hbm>>) dst(%arg11 : memref<4096xi32, #tpu.memory_space<vmem>>)
      tpu.yield
    }) : () -> ()
    "tpu.region"() ({
      %run_scoped3A_147 = tpu.sem_alloc : memref<!tpu.dma_semaphore, #tpu.memory_space<semaphore_mem>>
      %dma_start3A_148 = tpu.memref_slice %arg3[%add3A_124] : memref<131072xi32, #tpu.memory_space<hbm>> -> memref<4096xi32, #tpu.memory_space<hbm>>
      %dma_start3A_149 = tpu.memref_slice %arg3[%add3A_124] : memref<131072xi32, #tpu.memory_space<hbm>> -> memref<4096xi32, #tpu.memory_space<hbm>>
      tpu.enqueue_dma source(%dma_start3A_149 : memref<4096xi32, #tpu.memory_space<hbm>>) target(%arg12 : memref<4096xi32, #tpu.memory_space<vmem>>) target_semaphore(%run_scoped3A_147 : memref<!tpu.dma_semaphore, #tpu.memory_space<semaphore_mem>>)
      %dma_wait3A_150 = tpu.memref_slice %arg3[%add3A_124] : memref<131072xi32, #tpu.memory_space<hbm>> -> memref<4096xi32, #tpu.memory_space<hbm>>
      %dma_wait3A_151 = tpu.memref_slice %arg3[%add3A_124] : memref<131072xi32, #tpu.memory_space<hbm>> -> memref<4096xi32, #tpu.memory_space<hbm>>
      tpu.wait_dma2 semaphore(%run_scoped3A_147 : memref<!tpu.dma_semaphore, #tpu.memory_space<semaphore_mem>>) src(%dma_wait3A_151 : memref<4096xi32, #tpu.memory_space<hbm>>) dst(%arg12 : memref<4096xi32, #tpu.memory_space<vmem>>)
      tpu.yield
    }) : () -> ()
    "tpu.region"() ({
      %run_scoped3A_147 = tpu.sem_alloc : memref<!tpu.dma_semaphore, #tpu.memory_space<semaphore_mem>>
      %dma_start3A_148 = tpu.memref_slice %arg4[%add3A_124] : memref<131072xi32, #tpu.memory_space<hbm>> -> memref<4096xi32, #tpu.memory_space<hbm>>
      %dma_start3A_149 = tpu.memref_slice %arg4[%add3A_124] : memref<131072xi32, #tpu.memory_space<hbm>> -> memref<4096xi32, #tpu.memory_space<hbm>>
      tpu.enqueue_dma source(%dma_start3A_149 : memref<4096xi32, #tpu.memory_space<hbm>>) target(%arg13 : memref<4096xi32, #tpu.memory_space<vmem>>) target_semaphore(%run_scoped3A_147 : memref<!tpu.dma_semaphore, #tpu.memory_space<semaphore_mem>>)
      %dma_wait3A_150 = tpu.memref_slice %arg4[%add3A_124] : memref<131072xi32, #tpu.memory_space<hbm>> -> memref<4096xi32, #tpu.memory_space<hbm>>
      %dma_wait3A_151 = tpu.memref_slice %arg4[%add3A_124] : memref<131072xi32, #tpu.memory_space<hbm>> -> memref<4096xi32, #tpu.memory_space<hbm>>
      tpu.wait_dma2 semaphore(%run_scoped3A_147 : memref<!tpu.dma_semaphore, #tpu.memory_space<semaphore_mem>>) src(%dma_wait3A_151 : memref<4096xi32, #tpu.memory_space<hbm>>) dst(%arg13 : memref<4096xi32, #tpu.memory_space<vmem>>)
      tpu.yield
    }) : () -> ()
    %scan3A_125 = arith.constant 0 : i32
    %scan3A_126 = arith.constant 0 : i32
    %scan3A_127 = arith.constant 256 : i32
    %scan3A_128 = arith.addi %scan3A_126, %scan3A_127 : i32
    %scan3A_129 = arith.constant 1 : i32
    %scan3A_130 = scf.for %scan3A_147 = %scan3A_126 to %scan3A_128 step %scan3A_129 iter_args(%scan3A_148 = %scan3A_125) -> (i32)  : i32 {
      %mul3A_149 = arith.constant 16 : i32
      %mul3A_150 = arith.muli %scan3A_147, %mul3A_149 : i32
      %get3A = arith.index_cast %mul3A_150 : i32 to index
      %get3A_151 = tpu.vector_load %arg11[%get3A] {strides = array<i32>} : memref<4096xi32, #tpu.memory_space<vmem>>, vector<16xi32>,
      %get3A_152 = arith.index_cast %mul3A_150 : i32 to index
      %get3A_153 = tpu.vector_load %arg12[%get3A_152] {strides = array<i32>} : memref<4096xi32, #tpu.memory_space<vmem>>, vector<16xi32>,
      %get3A_154 = arith.index_cast %mul3A_150 : i32 to index
      %get3A_155 = tpu.vector_load %arg13[%get3A_154] {strides = array<i32>} : memref<4096xi32, #tpu.memory_space<vmem>>, vector<16xi32>,
      %ge3A = vector.broadcast %mul3A_0 : i32 to vector<16xi32>
      %ge3A_156 = arith.cmpi sge, %get3A_155, %ge3A : vector<16xi32>
      %add3A_157 = arith.constant 1024 : i32
      %add3A_158 = arith.addi %mul3A_0, %add3A_157 : i32
      %lt3A = vector.broadcast %add3A_158 : i32 to vector<16xi32>
      %lt3A_159 = arith.cmpi slt, %get3A_155, %lt3A : vector<16xi32>
      %and3A = arith.andi %ge3A_156, %lt3A_159 : vector<16xi1>
      %ge3A_160 = arith.constant 1024 : i32
      %ge3A_161 = vector.broadcast %ge3A_160 : i32 to vector<16xi32>
      %ge3A_162 = arith.cmpi sge, %get3A_151, %ge3A_161 : vector<16xi32>
      %and3A_163 = arith.andi %and3A, %ge3A_162 : vector<16xi1>
      %lt3A_164 = arith.constant 2048 : i32
      %lt3A_165 = vector.broadcast %lt3A_164 : i32 to vector<16xi32>
      %lt3A_166 = arith.cmpi slt, %get3A_151, %lt3A_165 : vector<16xi32>
      %and3A_167 = arith.andi %and3A_163, %lt3A_166 : vector<16xi1>
      %sub3A = vector.broadcast %mul3A_0 : i32 to vector<16xi32>
      %sub3A_168 = arith.subi %get3A_155, %sub3A : vector<16xi32>
      %mul3A_169 = arith.constant 1024 : i32
      %mul3A_170 = vector.broadcast %mul3A_169 : i32 to vector<16xi32>
      %mul3A_171 = arith.muli %sub3A_168, %mul3A_170 : vector<16xi32>
      %sub3A_172 = arith.constant 1024 : i32
      %sub3A_173 = vector.broadcast %sub3A_172 : i32 to vector<16xi32>
      %sub3A_174 = arith.subi %get3A_151, %sub3A_173 : vector<16xi32>
      %add3A_175 = arith.addi %mul3A_171, %sub3A_174 : vector<16xi32>
      %jit3A = arith.constant 1048576 : i32
      %broadcast_in_dim3A = vector.broadcast %jit3A : i32 to vector<16xi32>
      %select_n3A = arith.select %and3A_167, %add3A_175, %broadcast_in_dim3A : vector<16xi1>, vector<16xi32>
      %mul3A_176 = arith.constant 8 : i32
      %mul3A_177 = vector.broadcast %mul3A_176 : i32 to vector<16xi32>
      %mul3A_178 = arith.muli %get3A_155, %mul3A_177 : vector<16xi32>
      %add3A_179 = arith.addi %mul3A_178, %get3A_153 : vector<16xi32>
      %gather3A = tpu.vector_load_idx %arg14[%add3A_179] : memref<16384xf32, #tpu.memory_space<vmem>>[vector<16xi32>], vector<16xf32>,
      %swap3A = arith.index_cast %mul3A_150 : i32 to index
      %swap3A_180 = tpu.vector_load %arg15[%swap3A] {strides = array<i32>} : memref<4096xi32, #tpu.memory_space<vmem>>, vector<16xi32>,
      tpu.vector_store %arg15[%swap3A], %select_n3A {strides = array<i32>} : memref<4096xi32, #tpu.memory_space<vmem>>, vector<16xi32>,
      %swap3A_181 = arith.index_cast %mul3A_150 : i32 to index
      %swap3A_182 = tpu.vector_load %arg18[%swap3A_181] {strides = array<i32>} : memref<4096xf32, #tpu.memory_space<vmem>>, vector<16xf32>,
      tpu.vector_store %arg18[%swap3A_181], %gather3A {strides = array<i32>} : memref<4096xf32, #tpu.memory_space<vmem>>, vector<16xf32>,
      %scan3A_183 = arith.constant 0 : i32
      scf.yield %scan3A_183 : i32
    }
    %scan3A_131 = arith.constant 256 : i32
    "tpu.region"() ({
      %run_scoped3A_147 = tpu.sem_alloc : memref<!tpu.dma_semaphore, #tpu.memory_space<semaphore_mem>>
      %dma_start3A_148 = arith.constant 0 : i32
      %dma_start3A_149 = tpu.memref_slice %arg9[%dma_start3A_148] : memref<1048584xf32, #tpu.memory_space<vmem_shared>> -> memref<1048584xf32, #tpu.memory_space<vmem_shared>>
      tpu.enqueue_indirect_dma source(%arg18 : memref<4096xf32, #tpu.memory_space<vmem>>) target(%dma_start3A_149 : memref<1048584xf32, #tpu.memory_space<vmem_shared>>) offsets(%arg15 : memref<4096xi32, #tpu.memory_space<vmem>>) semaphore(%run_scoped3A_147 : memref<!tpu.dma_semaphore, #tpu.memory_space<semaphore_mem>>) {add = true}
      %dma_wait3A_150 = arith.constant 0 : i32
      %dma_wait3A_151 = tpu.memref_slice %arg9[%dma_wait3A_150] : memref<1048584xf32, #tpu.memory_space<vmem_shared>> -> memref<1048584xf32, #tpu.memory_space<vmem_shared>>
      tpu.wait_indirect_dma semaphore(%run_scoped3A_147 : memref<!tpu.dma_semaphore, #tpu.memory_space<semaphore_mem>>) src(%arg18 : memref<4096xf32, #tpu.memory_space<vmem>>) dst(%dma_wait3A_151 : memref<1048584xf32, #tpu.memory_space<vmem_shared>>)
      tpu.yield
    }) : () -> ()
    %barrier3A_132 = arith.constant 0 : index
    tpu.barrier barrier_id(%barrier3A_132)
    %mul3A_133 = arith.constant 65536 : i32
    %mul3A_134 = arith.muli %arg1, %mul3A_133 : i32
    %mul3A_135 = arith.constant 64 : i32
    %mul3A_136 = arith.muli %arg1, %mul3A_135 : i32
    %add3A_137 = arith.addi %mul3A_0, %mul3A_136 : i32
    %mul3A_138 = arith.constant 1024 : i32
    %mul3A_139 = arith.muli %add3A_137, %mul3A_138 : i32
    %run_scoped3A_140 = arith.constant 1 : i32
    "tpu.region"() ({
      %run_scoped3A_147 = tpu.sem_alloc : memref<!tpu.dma_semaphore, #tpu.memory_space<semaphore_mem>>
      %dma_start3A_148 = tpu.memref_slice %arg7[%run_scoped3A_140, %mul3A_139] : memref<2x2097152xf32, #tpu.memory_space<hbm>> -> memref<1x65536xf32, #tpu.memory_space<hbm>>
      %dma_start3A_149 = tpu.memref_squeeze %dma_start3A_148 : memref<1x65536xf32, #tpu.memory_space<hbm>> -> memref<65536xf32, #tpu.memory_space<hbm>>
      %dma_start3A_150 = tpu.memref_slice %arg9[%mul3A_134] : memref<1048584xf32, #tpu.memory_space<vmem_shared>> -> memref<65536xf32, #tpu.memory_space<vmem_shared>>
      tpu.enqueue_dma source(%dma_start3A_150 : memref<65536xf32, #tpu.memory_space<vmem_shared>>) target(%dma_start3A_149 : memref<65536xf32, #tpu.memory_space<hbm>>) target_semaphore(%run_scoped3A_147 : memref<!tpu.dma_semaphore, #tpu.memory_space<semaphore_mem>>)
      %dma_wait3A_151 = tpu.memref_slice %arg7[%run_scoped3A_140, %mul3A_139] : memref<2x2097152xf32, #tpu.memory_space<hbm>> -> memref<1x65536xf32, #tpu.memory_space<hbm>>
      %dma_wait3A_152 = tpu.memref_squeeze %dma_wait3A_151 : memref<1x65536xf32, #tpu.memory_space<hbm>> -> memref<65536xf32, #tpu.memory_space<hbm>>
      %dma_wait3A_153 = tpu.memref_slice %arg9[%mul3A_134] : memref<1048584xf32, #tpu.memory_space<vmem_shared>> -> memref<65536xf32, #tpu.memory_space<vmem_shared>>
      tpu.wait_dma2 semaphore(%run_scoped3A_147 : memref<!tpu.dma_semaphore, #tpu.memory_space<semaphore_mem>>) src(%dma_wait3A_153 : memref<65536xf32, #tpu.memory_space<vmem_shared>>) dst(%dma_wait3A_152 : memref<65536xf32, #tpu.memory_space<hbm>>)
      tpu.yield
    }) : () -> ()
    %barrier3A_141 = arith.constant 0 : index
    tpu.barrier barrier_id(%barrier3A_141)
    %eq3A_142 = arith.constant 0 : i32
    %eq3A_143 = arith.cmpi eq, %arg1, %eq3A_142 : i32
    %convert_element_type3A_144 = arith.extui %eq3A_143 : i1 to i32
    %cond3A_145 = arith.constant 0 : i32
    %cond3A_146 = arith.cmpi ne, %convert_element_type3A_144, %cond3A_145 : i32
    scf.if %cond3A_146 {
      %mul3A_147 = arith.constant 8192 : i32
      %mul3A_148 = arith.muli %arg0, %mul3A_147 : i32
      "tpu.region"() ({
        %run_scoped3A_149 = tpu.sem_alloc : memref<!tpu.dma_semaphore, #tpu.memory_space<semaphore_mem>>
        %dma_start3A_150 = tpu.memref_slice %arg8[%mul3A_148] : memref<16384xf32, #tpu.memory_space<hbm>> -> memref<8192xf32, #tpu.memory_space<hbm>>
        %dma_start3A_151 = arith.constant 0 : i32
        %dma_start3A_152 = tpu.memref_slice %arg10[%dma_start3A_151] : memref<8200xf32, #tpu.memory_space<vmem_shared>> -> memref<8192xf32, #tpu.memory_space<vmem_shared>>
        tpu.enqueue_dma source(%dma_start3A_152 : memref<8192xf32, #tpu.memory_space<vmem_shared>>) target(%dma_start3A_150 : memref<8192xf32, #tpu.memory_space<hbm>>) target_semaphore(%run_scoped3A_149 : memref<!tpu.dma_semaphore, #tpu.memory_space<semaphore_mem>>)
        %dma_wait3A_153 = tpu.memref_slice %arg8[%mul3A_148] : memref<16384xf32, #tpu.memory_space<hbm>> -> memref<8192xf32, #tpu.memory_space<hbm>>
        %dma_wait3A_154 = arith.constant 0 : i32
        %dma_wait3A_155 = tpu.memref_slice %arg10[%dma_wait3A_154] : memref<8200xf32, #tpu.memory_space<vmem_shared>> -> memref<8192xf32, #tpu.memory_space<vmem_shared>>
        tpu.wait_dma2 semaphore(%run_scoped3A_149 : memref<!tpu.dma_semaphore, #tpu.memory_space<semaphore_mem>>) src(%dma_wait3A_155 : memref<8192xf32, #tpu.memory_space<vmem_shared>>) dst(%dma_wait3A_153 : memref<8192xf32, #tpu.memory_space<hbm>>)
        tpu.yield
      }) : () -> ()
    } else {
    }
    return
  }
}

module attributes {stable_mosaic.version = 14 : i64} {
  func.func @_att_body(%arg0: i32, %arg1: memref<256x128xf32, #tpu.memory_space<vmem>>, %arg2: memref<2048x128xf32, #tpu.memory_space<vmem>>, %arg3: memref<8x128xf32, #tpu.memory_space<vmem>>, %arg4: memref<256x2048xf32, #tpu.memory_space<vmem>>, %arg5: memref<256x8xf32, #tpu.memory_space<vmem>>) attributes {dimension_semantics = [#tpu.dimension_semantics<arbitrary>], iteration_bounds = array<i64: 8>, scalar_prefetch = 0 : i64, scratch_operands = 0 : i64, tpu.core_type = #tpu.core_type<tc>, window_params = [{transform_indices = @transform_0, window_bounds = array<i64: 256, 128>}, {pipeline_mode = #tpu.pipeline_mode<synchronous>, transform_indices = @transform_1, window_bounds = array<i64: 2048, 128>}, {pipeline_mode = #tpu.pipeline_mode<synchronous>, transform_indices = @transform_2, window_bounds = array<i64: 8, 128>}, {transform_indices = @transform_3, window_bounds = array<i64: 256, 2048>}, {transform_indices = @transform_4, window_bounds = array<i64: 256, 8>}]} {
    %get3A = arith.constant 0 : index
    %get3A_0 = arith.constant 0 : index
    %get3A_1 = vector.load %arg1[%get3A, %get3A_0] : memref<256x128xf32, #tpu.memory_space<vmem>>, vector<256x128xf32>
    %get3A_2 = arith.constant 0 : index
    %get3A_3 = arith.constant 0 : index
    %get3A_4 = vector.load %arg2[%get3A_2, %get3A_3] : memref<2048x128xf32, #tpu.memory_space<vmem>>, vector<2048x128xf32>
    %dot_general3A = arith.constant dense<0.000000e+00> : vector<256x2048xf32>
    %dot_general3A_5 = tpu.matmul %get3A_1, %get3A_4, %dot_general3A {dimension_numbers = #tpu.dot_dimension_numbers<[1], [1], [0], [0], [0, 0, 1, 0], [], []>, precision = #tpu.contract_precision<fp32>, transpose_lhs_hint = false} : vector<256x128xf32>, vector<2048x128xf32>, vector<256x2048xf32> -> vector<256x2048xf32>
    %mul3A = arith.constant 0.0883883461 : f32
    %mul3A_6 = vector.broadcast %mul3A : f32 to vector<256x2048xf32>
    %mul3A_7 = arith.mulf %dot_general3A_5, %mul3A_6 : vector<256x2048xf32>
    %reduce_max3A = arith.constant dense<0xFF800000> : vector<256xf32>
    %reduce_max3A_8 = vector.multi_reduction <maximumf>, %mul3A_7, %reduce_max3A [1] : vector<256x2048xf32> to vector<256xf32>
    %broadcast_in_dim3A = vector.shape_cast %reduce_max3A_8 : vector<256xf32> to vector<256x1xf32>
    %sub3A = vector.broadcast %broadcast_in_dim3A : vector<256x1xf32> to vector<256x2048xf32>
    %sub3A_9 = arith.subf %mul3A_7, %sub3A : vector<256x2048xf32>
    %exp3A = math.exp %sub3A_9 : vector<256x2048xf32>
    %swap3A = arith.constant 0 : index
    %swap3A_10 = arith.constant 0 : index
    %swap3A_11 = vector.load %arg4[%swap3A, %swap3A_10] : memref<256x2048xf32, #tpu.memory_space<vmem>>, vector<256x2048xf32>
    tpu.vector_store %arg4[%swap3A, %swap3A_10], %exp3A {strides = array<i32>} : memref<256x2048xf32, #tpu.memory_space<vmem>>, vector<256x2048xf32>,
    %get3A_12 = arith.constant 0 : index
    %get3A_13 = arith.constant 0 : index
    %get3A_14 = vector.load %arg3[%get3A_12, %get3A_13] : memref<8x128xf32, #tpu.memory_space<vmem>>, vector<8x128xf32>
    %dot_general3A_15 = arith.constant dense<0.000000e+00> : vector<256x8xf32>
    %dot_general3A_16 = tpu.matmul %get3A_1, %get3A_14, %dot_general3A_15 {dimension_numbers = #tpu.dot_dimension_numbers<[1], [1], [0], [0], [0, 0, 1, 0], [], []>, precision = #tpu.contract_precision<fp32>, transpose_lhs_hint = false} : vector<256x128xf32>, vector<8x128xf32>, vector<256x8xf32> -> vector<256x8xf32>
    %mul3A_17 = arith.constant 0.0883883461 : f32
    %mul3A_18 = vector.broadcast %mul3A_17 : f32 to vector<256x8xf32>
    %mul3A_19 = arith.mulf %dot_general3A_16, %mul3A_18 : vector<256x8xf32>
    %reduce_max3A_20 = arith.constant dense<0xFF800000> : vector<256xf32>
    %reduce_max3A_21 = vector.multi_reduction <maximumf>, %mul3A_19, %reduce_max3A_20 [1] : vector<256x8xf32> to vector<256xf32>
    %broadcast_in_dim3A_22 = vector.shape_cast %reduce_max3A_21 : vector<256xf32> to vector<256x1xf32>
    %sub3A_23 = vector.broadcast %broadcast_in_dim3A_22 : vector<256x1xf32> to vector<256x8xf32>
    %sub3A_24 = arith.subf %mul3A_19, %sub3A_23 : vector<256x8xf32>
    %exp3A_25 = math.exp %sub3A_24 : vector<256x8xf32>
    %swap3A_26 = arith.constant 0 : index
    %swap3A_27 = arith.constant 0 : index
    %swap3A_28 = vector.load %arg5[%swap3A_26, %swap3A_27] : memref<256x8xf32, #tpu.memory_space<vmem>>, vector<256x8xf32>
    tpu.vector_store %arg5[%swap3A_26, %swap3A_27], %exp3A_25 {strides = array<i32>} : memref<256x8xf32, #tpu.memory_space<vmem>>, vector<256x8xf32>,
    return
  }
  func.func @transform_0(%arg0: i32) -> (i32, i32) {
    %c0_i32 = arith.constant 0 : i32
    %c0_i32_0 = arith.constant 0 : i32
    return %arg0, %c0_i32 : i32, i32
  }
  func.func @transform_1(%arg0: i32) -> (i32, i32) {
    %c0_i32 = arith.constant 0 : i32
    %c0_i32_0 = arith.constant 0 : i32
    %c0_i32_1 = arith.constant 0 : i32
    return %c0_i32, %c0_i32_0 : i32, i32
  }
  func.func @transform_2(%arg0: i32) -> (i32, i32) {
    %c0_i32 = arith.constant 0 : i32
    %c0_i32_0 = arith.constant 0 : i32
    %c0_i32_1 = arith.constant 0 : i32
    return %c0_i32, %c0_i32_0 : i32, i32
  }
  func.func @transform_3(%arg0: i32) -> (i32, i32) {
    %c0_i32 = arith.constant 0 : i32
    %c0_i32_0 = arith.constant 0 : i32
    return %arg0, %c0_i32 : i32, i32
  }
  func.func @transform_4(%arg0: i32) -> (i32, i32) {
    %c0_i32 = arith.constant 0 : i32
    %c0_i32_0 = arith.constant 0 : i32
    return %arg0, %c0_i32 : i32, i32
  }
}

module attributes {stable_mosaic.version = 14 : i64} {
  func.func @_proj_body(%arg0: memref<2048x128xf32, #tpu.memory_space<vmem>>, %arg1: memref<8x128xf32, #tpu.memory_space<vmem>>, %arg2: memref<128x128xf32, #tpu.memory_space<vmem>>, %arg3: memref<128x128xf32, #tpu.memory_space<vmem>>, %arg4: memref<128x128xf32, #tpu.memory_space<vmem>>, %arg5: memref<128x128xf32, #tpu.memory_space<vmem>>, %arg6: memref<128xf32, #tpu.memory_space<vmem>>, %arg7: memref<2048x128xf32, #tpu.memory_space<vmem>>, %arg8: memref<2048x128xf32, #tpu.memory_space<vmem>>, %arg9: memref<2048x128xf32, #tpu.memory_space<vmem>>, %arg10: memref<8x128xf32, #tpu.memory_space<vmem>>) attributes {dimension_semantics = [], scalar_prefetch = 0 : i64, scratch_operands = 0 : i64, tpu.core_type = #tpu.core_type<tc>} {
    %get3A = arith.constant 0 : index
    %get3A_0 = arith.constant 0 : index
    %get3A_1 = vector.load %arg0[%get3A, %get3A_0] : memref<2048x128xf32, #tpu.memory_space<vmem>>, vector<2048x128xf32>
    %get3A_2 = arith.constant 0 : index
    %get3A_3 = arith.constant 0 : index
    %get3A_4 = vector.load %arg2[%get3A_2, %get3A_3] : memref<128x128xf32, #tpu.memory_space<vmem>>, vector<128x128xf32>
    %dot_general3A = arith.constant dense<0.000000e+00> : vector<2048x128xf32>
    %dot_general3A_5 = tpu.matmul %get3A_1, %get3A_4, %dot_general3A {dimension_numbers = #tpu.dot_dimension_numbers<[1], [0], [0], [1], [0, 0, 1, 1], [], []>, precision = #tpu.contract_precision<fp32>, transpose_lhs_hint = false} : vector<2048x128xf32>, vector<128x128xf32>, vector<2048x128xf32> -> vector<2048x128xf32>
    %swap3A = arith.constant 0 : index
    %swap3A_6 = arith.constant 0 : index
    %swap3A_7 = vector.load %arg7[%swap3A, %swap3A_6] : memref<2048x128xf32, #tpu.memory_space<vmem>>, vector<2048x128xf32>
    tpu.vector_store %arg7[%swap3A, %swap3A_6], %dot_general3A_5 {strides = array<i32>} : memref<2048x128xf32, #tpu.memory_space<vmem>>, vector<2048x128xf32>,
    %get3A_8 = arith.constant 0 : index
    %get3A_9 = arith.constant 0 : index
    %get3A_10 = vector.load %arg3[%get3A_8, %get3A_9] : memref<128x128xf32, #tpu.memory_space<vmem>>, vector<128x128xf32>
    %dot_general3A_11 = arith.constant dense<0.000000e+00> : vector<2048x128xf32>
    %dot_general3A_12 = tpu.matmul %get3A_1, %get3A_10, %dot_general3A_11 {dimension_numbers = #tpu.dot_dimension_numbers<[1], [0], [0], [1], [0, 0, 1, 1], [], []>, precision = #tpu.contract_precision<fp32>, transpose_lhs_hint = false} : vector<2048x128xf32>, vector<128x128xf32>, vector<2048x128xf32> -> vector<2048x128xf32>
    %swap3A_13 = arith.constant 0 : index
    %swap3A_14 = arith.constant 0 : index
    %swap3A_15 = vector.load %arg8[%swap3A_13, %swap3A_14] : memref<2048x128xf32, #tpu.memory_space<vmem>>, vector<2048x128xf32>
    tpu.vector_store %arg8[%swap3A_13, %swap3A_14], %dot_general3A_12 {strides = array<i32>} : memref<2048x128xf32, #tpu.memory_space<vmem>>, vector<2048x128xf32>,
    %get3A_16 = arith.constant 0 : index
    %get3A_17 = arith.constant 0 : index
    %get3A_18 = vector.load %arg4[%get3A_16, %get3A_17] : memref<128x128xf32, #tpu.memory_space<vmem>>, vector<128x128xf32>
    %dot_general3A_19 = arith.constant dense<0.000000e+00> : vector<2048x128xf32>
    %dot_general3A_20 = tpu.matmul %get3A_1, %get3A_18, %dot_general3A_19 {dimension_numbers = #tpu.dot_dimension_numbers<[1], [0], [0], [1], [0, 0, 1, 1], [], []>, precision = #tpu.contract_precision<fp32>, transpose_lhs_hint = false} : vector<2048x128xf32>, vector<128x128xf32>, vector<2048x128xf32> -> vector<2048x128xf32>
    %swap3A_21 = arith.constant 0 : index
    %swap3A_22 = arith.constant 0 : index
    %swap3A_23 = vector.load %arg9[%swap3A_21, %swap3A_22] : memref<2048x128xf32, #tpu.memory_space<vmem>>, vector<2048x128xf32>
    tpu.vector_store %arg9[%swap3A_21, %swap3A_22], %dot_general3A_20 {strides = array<i32>} : memref<2048x128xf32, #tpu.memory_space<vmem>>, vector<2048x128xf32>,
    %get3A_24 = arith.constant 0 : index
    %get3A_25 = arith.constant 0 : index
    %get3A_26 = vector.load %arg1[%get3A_24, %get3A_25] : memref<8x128xf32, #tpu.memory_space<vmem>>, vector<8x128xf32>
    %get3A_27 = arith.constant 0 : index
    %get3A_28 = arith.constant 0 : index
    %get3A_29 = vector.load %arg5[%get3A_27, %get3A_28] : memref<128x128xf32, #tpu.memory_space<vmem>>, vector<128x128xf32>
    %dot_general3A_30 = arith.constant dense<0.000000e+00> : vector<8x128xf32>
    %dot_general3A_31 = tpu.matmul %get3A_26, %get3A_29, %dot_general3A_30 {dimension_numbers = #tpu.dot_dimension_numbers<[1], [0], [0], [1], [0, 0, 1, 1], [], []>, precision = #tpu.contract_precision<fp32>, transpose_lhs_hint = false} : vector<8x128xf32>, vector<128x128xf32>, vector<8x128xf32> -> vector<8x128xf32>
    %get3A_32 = arith.constant 0 : index
    %get3A_33 = vector.load %arg6[%get3A_32] : memref<128xf32, #tpu.memory_space<vmem>>, vector<128xf32>
    %broadcast_in_dim3A = vector.shape_cast %get3A_33 : vector<128xf32> to vector<1x128xf32>
    %add3A = vector.broadcast %broadcast_in_dim3A : vector<1x128xf32> to vector<8x128xf32>
    %add3A_34 = arith.addf %dot_general3A_31, %add3A : vector<8x128xf32>
    %swap3A_35 = arith.constant 0 : index
    %swap3A_36 = arith.constant 0 : index
    %swap3A_37 = vector.load %arg10[%swap3A_35, %swap3A_36] : memref<8x128xf32, #tpu.memory_space<vmem>>, vector<8x128xf32>
    tpu.vector_store %arg10[%swap3A_35, %swap3A_36], %add3A_34 {strides = array<i32>} : memref<8x128xf32, #tpu.memory_space<vmem>>, vector<8x128xf32>,
    return
  }
}

module attributes {stable_mosaic.version = 14 : i64} {
  func.func @_mr_body(%arg0: i32, %arg1: memref<8x128xf32, #tpu.memory_space<vmem>>, %arg2: memref<128x2048xf32, #tpu.memory_space<vmem>>, %arg3: memref<2048xf32, #tpu.memory_space<vmem>>, %arg4: memref<8x2048xf32, #tpu.memory_space<vmem>>) attributes {dimension_semantics = [#tpu.dimension_semantics<arbitrary>], iteration_bounds = array<i64: 8>, scalar_prefetch = 0 : i64, scratch_operands = 0 : i64, tpu.core_type = #tpu.core_type<tc>, window_params = [{pipeline_mode = #tpu.pipeline_mode<synchronous>, transform_indices = @transform_0, window_bounds = array<i64: 8, 128>}, {transform_indices = @transform_1, window_bounds = array<i64: 128, 2048>}, {transform_indices = @transform_2, window_bounds = array<i64: 2048>}, {transform_indices = @transform_3, window_bounds = array<i64: 8, 2048>}]} {
    %get3A = arith.constant 0 : index
    %get3A_0 = arith.constant 0 : index
    %get3A_1 = vector.load %arg1[%get3A, %get3A_0] : memref<8x128xf32, #tpu.memory_space<vmem>>, vector<8x128xf32>
    %get3A_2 = arith.constant 0 : index
    %get3A_3 = arith.constant 0 : index
    %get3A_4 = vector.load %arg2[%get3A_2, %get3A_3] : memref<128x2048xf32, #tpu.memory_space<vmem>>, vector<128x2048xf32>
    %dot_general3A = arith.constant dense<0.000000e+00> : vector<8x2048xf32>
    %dot_general3A_5 = tpu.matmul %get3A_1, %get3A_4, %dot_general3A {dimension_numbers = #tpu.dot_dimension_numbers<[1], [0], [0], [1], [0, 0, 1, 1], [], []>, precision = #tpu.contract_precision<fp32>, transpose_lhs_hint = false} : vector<8x128xf32>, vector<128x2048xf32>, vector<8x2048xf32> -> vector<8x2048xf32>
    %get3A_6 = arith.constant 0 : index
    %get3A_7 = vector.load %arg3[%get3A_6] : memref<2048xf32, #tpu.memory_space<vmem>>, vector<2048xf32>
    %broadcast_in_dim3A = vector.shape_cast %get3A_7 : vector<2048xf32> to vector<1x2048xf32>
    %add3A = vector.broadcast %broadcast_in_dim3A : vector<1x2048xf32> to vector<8x2048xf32>
    %add3A_8 = arith.addf %dot_general3A_5, %add3A : vector<8x2048xf32>
    %swap3A = arith.constant 0 : index
    %swap3A_9 = arith.constant 0 : index
    %swap3A_10 = vector.load %arg4[%swap3A, %swap3A_9] : memref<8x2048xf32, #tpu.memory_space<vmem>>, vector<8x2048xf32>
    tpu.vector_store %arg4[%swap3A, %swap3A_9], %add3A_8 {strides = array<i32>} : memref<8x2048xf32, #tpu.memory_space<vmem>>, vector<8x2048xf32>,
    return
  }
  func.func @transform_0(%arg0: i32) -> (i32, i32) {
    %c0_i32 = arith.constant 0 : i32
    %c0_i32_0 = arith.constant 0 : i32
    %c0_i32_1 = arith.constant 0 : i32
    return %c0_i32, %c0_i32_0 : i32, i32
  }
  func.func @transform_1(%arg0: i32) -> (i32, i32) {
    %c0_i32 = arith.constant 0 : i32
    %c0_i32_0 = arith.constant 0 : i32
    return %c0_i32, %arg0 : i32, i32
  }
  func.func @transform_2(%arg0: i32) -> i32 {
    %c0_i32 = arith.constant 0 : i32
    return %arg0 : i32
  }
  func.func @transform_3(%arg0: i32) -> (i32, i32) {
    %c0_i32 = arith.constant 0 : i32
    %c0_i32_0 = arith.constant 0 : i32
    return %c0_i32, %arg0 : i32, i32
  }
}

module attributes {stable_mosaic.version = 14 : i64} {
  func.func @_agg_body(%arg0: i32, %arg1: memref<256x1024xf32, #tpu.memory_space<vmem>>, %arg2: memref<256x1024xf32, #tpu.memory_space<vmem>>, %arg3: memref<256x2048xf32, #tpu.memory_space<vmem>>, %arg4: memref<256x8xf32, #tpu.memory_space<vmem>>, %arg5: memref<256x8xf32, #tpu.memory_space<vmem>>, %arg6: memref<2048x128xf32, #tpu.memory_space<vmem>>, %arg7: memref<8x128xf32, #tpu.memory_space<vmem>>, %arg8: memref<256x128xf32, #tpu.memory_space<vmem>>, %arg9: memref<128x128xf32, #tpu.memory_space<vmem>>, %arg10: memref<128xf32, #tpu.memory_space<vmem>>, %arg11: memref<128xf32, #tpu.memory_space<vmem>>, %arg12: memref<256x128xf32, #tpu.memory_space<vmem>>) attributes {dimension_semantics = [#tpu.dimension_semantics<arbitrary>], iteration_bounds = array<i64: 8>, scalar_prefetch = 0 : i64, scratch_operands = 0 : i64, tpu.core_type = #tpu.core_type<tc>, window_params = [{transform_indices = @transform_0, window_bounds = array<i64: 256, 1024>}, {transform_indices = @transform_1, window_bounds = array<i64: 256, 1024>}, {transform_indices = @transform_2, window_bounds = array<i64: 256, 2048>}, {transform_indices = @transform_3, window_bounds = array<i64: 256, 8>}, {transform_indices = @transform_4, window_bounds = array<i64: 256, 8>}, {pipeline_mode = #tpu.pipeline_mode<synchronous>, transform_indices = @transform_5, window_bounds = array<i64: 2048, 128>}, {pipeline_mode = #tpu.pipeline_mode<synchronous>, transform_indices = @transform_6, window_bounds = array<i64: 8, 128>}, {transform_indices = @transform_7, window_bounds = array<i64: 256, 128>}, {pipeline_mode = #tpu.pipeline_mode<synchronous>, transform_indices = @transform_8, window_bounds = array<i64: 128, 128>}, {pipeline_mode = #tpu.pipeline_mode<synchronous>, transform_indices = @transform_9, window_bounds = array<i64: 128>}, {pipeline_mode = #tpu.pipeline_mode<synchronous>, transform_indices = @transform_10, window_bounds = array<i64: 128>}, {transform_indices = @transform_11, window_bounds = array<i64: 256, 128>}]} {
    %get3A = arith.constant 0 : index
    %get3A_0 = arith.constant 0 : index
    %get3A_1 = vector.load %arg3[%get3A, %get3A_0] : memref<256x2048xf32, #tpu.memory_space<vmem>>, vector<256x2048xf32>
    %get3A_2 = arith.constant 0 : index
    %get3A_3 = arith.constant 0 : index
    %get3A_4 = vector.load %arg1[%get3A_2, %get3A_3] : memref<256x1024xf32, #tpu.memory_space<vmem>>, vector<256x1024xf32>
    %slice3A = vector.extract_strided_slice %get3A_1 {offsets = [0, 0], sizes = [256, 1024], strides = [1, 1]} : vector<256x2048xf32> to vector<256x1024xf32>
    %mul3A = arith.mulf %get3A_4, %slice3A : vector<256x1024xf32>
    %get3A_5 = arith.constant 0 : index
    %get3A_6 = arith.constant 0 : index
    %get3A_7 = vector.load %arg2[%get3A_5, %get3A_6] : memref<256x1024xf32, #tpu.memory_space<vmem>>, vector<256x1024xf32>
    %slice3A_8 = vector.extract_strided_slice %get3A_1 {offsets = [0, 1024], sizes = [256, 1024], strides = [1, 1]} : vector<256x2048xf32> to vector<256x1024xf32>
    %mul3A_9 = arith.mulf %get3A_7, %slice3A_8 : vector<256x1024xf32>
    %reduce_sum3A = arith.constant dense<0.000000e+00> : vector<256xf32>
    %reduce_sum3A_10 = vector.multi_reduction <add>, %mul3A, %reduce_sum3A [1] : vector<256x1024xf32> to vector<256xf32>
    %broadcast_in_dim3A = vector.shape_cast %reduce_sum3A_10 : vector<256xf32> to vector<256x1xf32>
    %reduce_sum3A_11 = arith.constant dense<0.000000e+00> : vector<256xf32>
    %reduce_sum3A_12 = vector.multi_reduction <add>, %mul3A_9, %reduce_sum3A_11 [1] : vector<256x1024xf32> to vector<256xf32>
    %broadcast_in_dim3A_13 = vector.shape_cast %reduce_sum3A_12 : vector<256xf32> to vector<256x1xf32>
    %add3A = arith.addf %broadcast_in_dim3A, %broadcast_in_dim3A_13 : vector<256x1xf32>
    %add3A_14 = arith.constant 1.000000e-30 : f32
    %add3A_15 = vector.broadcast %add3A_14 : f32 to vector<256x1xf32>
    %add3A_16 = arith.addf %add3A, %add3A_15 : vector<256x1xf32>
    %get3A_17 = arith.constant 0 : index
    %get3A_18 = arith.constant 0 : index
    %get3A_19 = vector.load %arg6[%get3A_17, %get3A_18] : memref<2048x128xf32, #tpu.memory_space<vmem>>, vector<2048x128xf32>
    %slice3A_20 = vector.extract_strided_slice %get3A_19 {offsets = [0, 0], sizes = [1024, 128], strides = [1, 1]} : vector<2048x128xf32> to vector<1024x128xf32>
    %dot_general3A = arith.constant dense<0.000000e+00> : vector<256x128xf32>
    %dot_general3A_21 = tpu.matmul %mul3A, %slice3A_20, %dot_general3A {dimension_numbers = #tpu.dot_dimension_numbers<[1], [0], [0], [1], [0, 0, 1, 1], [], []>, precision = #tpu.contract_precision<fp32>, transpose_lhs_hint = false} : vector<256x1024xf32>, vector<1024x128xf32>, vector<256x128xf32> -> vector<256x128xf32>
    %get3A_22 = arith.constant 0 : index
    %get3A_23 = arith.constant 0 : index
    %get3A_24 = vector.load %arg6[%get3A_22, %get3A_23] : memref<2048x128xf32, #tpu.memory_space<vmem>>, vector<2048x128xf32>
    %slice3A_25 = vector.extract_strided_slice %get3A_24 {offsets = [1024, 0], sizes = [1024, 128], strides = [1, 1]} : vector<2048x128xf32> to vector<1024x128xf32>
    %dot_general3A_26 = arith.constant dense<0.000000e+00> : vector<256x128xf32>
    %dot_general3A_27 = tpu.matmul %mul3A_9, %slice3A_25, %dot_general3A_26 {dimension_numbers = #tpu.dot_dimension_numbers<[1], [0], [0], [1], [0, 0, 1, 1], [], []>, precision = #tpu.contract_precision<fp32>, transpose_lhs_hint = false} : vector<256x1024xf32>, vector<1024x128xf32>, vector<256x128xf32> -> vector<256x128xf32>
    %add3A_28 = arith.addf %dot_general3A_21, %dot_general3A_27 : vector<256x128xf32>
    %get3A_29 = arith.constant 0 : index
    %get3A_30 = arith.constant 0 : index
    %get3A_31 = vector.load %arg4[%get3A_29, %get3A_30] : memref<256x8xf32, #tpu.memory_space<vmem>>, vector<256x8xf32>
    %get3A_32 = arith.constant 0 : index
    %get3A_33 = arith.constant 0 : index
    %get3A_34 = vector.load %arg5[%get3A_32, %get3A_33] : memref<256x8xf32, #tpu.memory_space<vmem>>, vector<256x8xf32>
    %mul3A_35 = arith.mulf %get3A_31, %get3A_34 : vector<256x8xf32>
    %get3A_36 = arith.constant 0 : index
    %get3A_37 = arith.constant 0 : index
    %get3A_38 = vector.load %arg7[%get3A_36, %get3A_37] : memref<8x128xf32, #tpu.memory_space<vmem>>, vector<8x128xf32>
    %dot_general3A_39 = arith.constant dense<0.000000e+00> : vector<256x128xf32>
    %dot_general3A_40 = tpu.matmul %mul3A_35, %get3A_38, %dot_general3A_39 {dimension_numbers = #tpu.dot_dimension_numbers<[1], [0], [0], [1], [0, 0, 1, 1], [], []>, precision = #tpu.contract_precision<fp32>, transpose_lhs_hint = false} : vector<256x8xf32>, vector<8x128xf32>, vector<256x128xf32> -> vector<256x128xf32>
    %add3A_41 = arith.addf %add3A_28, %dot_general3A_40 : vector<256x128xf32>
    %div3A = vector.broadcast %add3A_16 : vector<256x1xf32> to vector<256x128xf32>
    %div3A_42 = arith.divf %add3A_41, %div3A : vector<256x128xf32>
    %get3A_43 = arith.constant 0 : index
    %get3A_44 = arith.constant 0 : index
    %get3A_45 = vector.load %arg8[%get3A_43, %get3A_44] : memref<256x128xf32, #tpu.memory_space<vmem>>, vector<256x128xf32>
    %get3A_46 = arith.constant 0 : index
    %get3A_47 = arith.constant 0 : index
    %get3A_48 = vector.load %arg9[%get3A_46, %get3A_47] : memref<128x128xf32, #tpu.memory_space<vmem>>, vector<128x128xf32>
    %dot_general3A_49 = arith.constant dense<0.000000e+00> : vector<256x128xf32>
    %dot_general3A_50 = tpu.matmul %div3A_42, %get3A_48, %dot_general3A_49 {dimension_numbers = #tpu.dot_dimension_numbers<[1], [0], [0], [1], [0, 0, 1, 1], [], []>, precision = #tpu.contract_precision<fp32>, transpose_lhs_hint = false} : vector<256x128xf32>, vector<128x128xf32>, vector<256x128xf32> -> vector<256x128xf32>
    %add3A_51 = arith.addf %get3A_45, %dot_general3A_50 : vector<256x128xf32>
    %reduce_sum3A_52 = arith.constant dense<0.000000e+00> : vector<256xf32>
    %reduce_sum3A_53 = vector.multi_reduction <add>, %add3A_51, %reduce_sum3A_52 [1] : vector<256x128xf32> to vector<256xf32>
    %broadcast_in_dim3A_54 = vector.shape_cast %reduce_sum3A_53 : vector<256xf32> to vector<256x1xf32>
    %div3A_55 = arith.constant 1.280000e+02 : f32
    %div3A_56 = vector.broadcast %div3A_55 : f32 to vector<256x1xf32>
    %div3A_57 = arith.divf %broadcast_in_dim3A_54, %div3A_56 : vector<256x1xf32>
    %sub3A = vector.broadcast %div3A_57 : vector<256x1xf32> to vector<256x128xf32>
    %sub3A_58 = arith.subf %add3A_51, %sub3A : vector<256x128xf32>
    %mul3A_59 = arith.mulf %sub3A_58, %sub3A_58 : vector<256x128xf32>
    %reduce_sum3A_60 = arith.constant dense<0.000000e+00> : vector<256xf32>
    %reduce_sum3A_61 = vector.multi_reduction <add>, %mul3A_59, %reduce_sum3A_60 [1] : vector<256x128xf32> to vector<256xf32>
    %broadcast_in_dim3A_62 = vector.shape_cast %reduce_sum3A_61 : vector<256xf32> to vector<256x1xf32>
    %div3A_63 = arith.constant 1.280000e+02 : f32
    %div3A_64 = vector.broadcast %div3A_63 : f32 to vector<256x1xf32>
    %div3A_65 = arith.divf %broadcast_in_dim3A_62, %div3A_64 : vector<256x1xf32>
    %get3A_66 = arith.constant 0 : index
    %get3A_67 = vector.load %arg10[%get3A_66] : memref<128xf32, #tpu.memory_space<vmem>>, vector<128xf32>
    %broadcast_in_dim3A_68 = vector.shape_cast %get3A_67 : vector<128xf32> to vector<1x128xf32>
    %mul3A_69 = vector.broadcast %broadcast_in_dim3A_68 : vector<1x128xf32> to vector<256x128xf32>
    %mul3A_70 = arith.mulf %mul3A_69, %sub3A_58 : vector<256x128xf32>
    %add3A_71 = arith.constant 9.99999974E-6 : f32
    %add3A_72 = vector.broadcast %add3A_71 : f32 to vector<256x1xf32>
    %add3A_73 = arith.addf %div3A_65, %add3A_72 : vector<256x1xf32>
    %rsqrt3A = math.rsqrt %add3A_73 : vector<256x1xf32>
    %mul3A_74 = vector.broadcast %rsqrt3A : vector<256x1xf32> to vector<256x128xf32>
    %mul3A_75 = arith.mulf %mul3A_70, %mul3A_74 : vector<256x128xf32>
    %get3A_76 = arith.constant 0 : index
    %get3A_77 = vector.load %arg11[%get3A_76] : memref<128xf32, #tpu.memory_space<vmem>>, vector<128xf32>
    %broadcast_in_dim3A_78 = vector.shape_cast %get3A_77 : vector<128xf32> to vector<1x128xf32>
    %add3A_79 = vector.broadcast %broadcast_in_dim3A_78 : vector<1x128xf32> to vector<256x128xf32>
    %add3A_80 = arith.addf %mul3A_75, %add3A_79 : vector<256x128xf32>
    %swap3A = arith.constant 0 : index
    %swap3A_81 = arith.constant 0 : index
    %swap3A_82 = vector.load %arg12[%swap3A, %swap3A_81] : memref<256x128xf32, #tpu.memory_space<vmem>>, vector<256x128xf32>
    tpu.vector_store %arg12[%swap3A, %swap3A_81], %add3A_80 {strides = array<i32>} : memref<256x128xf32, #tpu.memory_space<vmem>>, vector<256x128xf32>,
    return
  }
  func.func @transform_0(%arg0: i32) -> (i32, i32) {
    %c0_i32 = arith.constant 0 : i32
    %c0_i32_0 = arith.constant 0 : i32
    return %arg0, %c0_i32 : i32, i32
  }
  func.func @transform_1(%arg0: i32) -> (i32, i32) {
    %c0_i32 = arith.constant 0 : i32
    %c0_i32_0 = arith.constant 0 : i32
    return %arg0, %c0_i32 : i32, i32
  }
  func.func @transform_2(%arg0: i32) -> (i32, i32) {
    %c0_i32 = arith.constant 0 : i32
    %c0_i32_0 = arith.constant 0 : i32
    return %arg0, %c0_i32 : i32, i32
  }
  func.func @transform_3(%arg0: i32) -> (i32, i32) {
    %c0_i32 = arith.constant 0 : i32
    %c0_i32_0 = arith.constant 0 : i32
    return %arg0, %c0_i32 : i32, i32
  }
  func.func @transform_4(%arg0: i32) -> (i32, i32) {
    %c0_i32 = arith.constant 0 : i32
    %c0_i32_0 = arith.constant 0 : i32
    return %arg0, %c0_i32 : i32, i32
  }
  func.func @transform_5(%arg0: i32) -> (i32, i32) {
    %c0_i32 = arith.constant 0 : i32
    %c0_i32_0 = arith.constant 0 : i32
    %c0_i32_1 = arith.constant 0 : i32
    return %c0_i32, %c0_i32_0 : i32, i32
  }
  func.func @transform_6(%arg0: i32) -> (i32, i32) {
    %c0_i32 = arith.constant 0 : i32
    %c0_i32_0 = arith.constant 0 : i32
    %c0_i32_1 = arith.constant 0 : i32
    return %c0_i32, %c0_i32_0 : i32, i32
  }
  func.func @transform_7(%arg0: i32) -> (i32, i32) {
    %c0_i32 = arith.constant 0 : i32
    %c0_i32_0 = arith.constant 0 : i32
    return %arg0, %c0_i32 : i32, i32
  }
  func.func @transform_8(%arg0: i32) -> (i32, i32) {
    %c0_i32 = arith.constant 0 : i32
    %c0_i32_0 = arith.constant 0 : i32
    %c0_i32_1 = arith.constant 0 : i32
    return %c0_i32, %c0_i32_0 : i32, i32
  }
  func.func @transform_9(%arg0: i32) -> i32 {
    %c0_i32 = arith.constant 0 : i32
    %c0_i32_0 = arith.constant 0 : i32
    return %c0_i32 : i32
  }
  func.func @transform_10(%arg0: i32) -> i32 {
    %c0_i32 = arith.constant 0 : i32
    %c0_i32_0 = arith.constant 0 : i32
    return %c0_i32 : i32
  }
  func.func @transform_11(%arg0: i32) -> (i32, i32) {
    %c0_i32 = arith.constant 0 : i32
    %c0_i32_0 = arith.constant 0 : i32
    return %arg0, %c0_i32 : i32, i32
  }
}

module attributes {stable_mosaic.version = 14 : i64} {
  func.func @_rescal_body(%arg0: i32, %arg1: i32, %arg2: memref<1x128x128xf32, #tpu.memory_space<vmem>>, %arg3: memref<256x128xf32, #tpu.memory_space<vmem>>, %arg4: memref<2048x128xf32, #tpu.memory_space<vmem>>, %arg5: memref<1x256x2048xf32, #tpu.memory_space<vmem>>) attributes {dimension_semantics = [#tpu.dimension_semantics<arbitrary>, #tpu.dimension_semantics<arbitrary>], iteration_bounds = array<i64: 8, 8>, scalar_prefetch = 0 : i64, scratch_operands = 0 : i64, tpu.core_type = #tpu.core_type<tc>, window_params = [{transform_indices = @transform_0, window_bounds = array<i64: 1, 128, 128>}, {transform_indices = @transform_1, window_bounds = array<i64: 256, 128>}, {pipeline_mode = #tpu.pipeline_mode<synchronous>, transform_indices = @transform_2, window_bounds = array<i64: 2048, 128>}, {transform_indices = @transform_3, window_bounds = array<i64: 1, 256, 2048>}]} {
    %get3A = arith.constant 0 : index
    %get3A_0 = arith.constant 0 : index
    %get3A_1 = vector.load %arg3[%get3A, %get3A_0] : memref<256x128xf32, #tpu.memory_space<vmem>>, vector<256x128xf32>
    %get3A_2 = arith.constant 0 : index
    %get3A_3 = arith.constant 0 : index
    %get3A_4 = arith.constant 0 : index
    %get3A_5 = vector.load %arg2[%get3A_2, %get3A_3, %get3A_4] : memref<1x128x128xf32, #tpu.memory_space<vmem>>, vector<1x128x128xf32>
    %get3A_6 = vector.shape_cast %get3A_5 : vector<1x128x128xf32> to vector<128x128xf32>
    %dot_general3A = arith.constant dense<0.000000e+00> : vector<256x128xf32>
    %dot_general3A_7 = tpu.matmul %get3A_1, %get3A_6, %dot_general3A {dimension_numbers = #tpu.dot_dimension_numbers<[1], [0], [0], [1], [0, 0, 1, 1], [], []>, precision = #tpu.contract_precision<fp32>, transpose_lhs_hint = false} : vector<256x128xf32>, vector<128x128xf32>, vector<256x128xf32> -> vector<256x128xf32>
    %get3A_8 = arith.constant 0 : index
    %get3A_9 = arith.constant 0 : index
    %get3A_10 = vector.load %arg4[%get3A_8, %get3A_9] : memref<2048x128xf32, #tpu.memory_space<vmem>>, vector<2048x128xf32>
    %dot_general3A_11 = arith.constant dense<0.000000e+00> : vector<256x2048xf32>
    %dot_general3A_12 = tpu.matmul %dot_general3A_7, %get3A_10, %dot_general3A_11 {dimension_numbers = #tpu.dot_dimension_numbers<[1], [1], [0], [0], [0, 0, 1, 0], [], []>, precision = #tpu.contract_precision<fp32>, transpose_lhs_hint = false} : vector<256x128xf32>, vector<2048x128xf32>, vector<256x2048xf32> -> vector<256x2048xf32>
    %swap3A = arith.constant 0 : index
    %swap3A_13 = arith.constant 0 : index
    %swap3A_14 = arith.constant 0 : index
    %swap3A_15 = vector.load %arg5[%swap3A, %swap3A_13, %swap3A_14] : memref<1x256x2048xf32, #tpu.memory_space<vmem>>, vector<1x256x2048xf32>
    %swap3A_16 = vector.shape_cast %swap3A_15 : vector<1x256x2048xf32> to vector<256x2048xf32>
    %swap3A_17 = vector.shape_cast %dot_general3A_12 : vector<256x2048xf32> to vector<1x256x2048xf32>
    tpu.vector_store %arg5[%swap3A, %swap3A_13, %swap3A_14], %swap3A_17 {strides = array<i32>} : memref<1x256x2048xf32, #tpu.memory_space<vmem>>, vector<1x256x2048xf32>,
    return
  }
  func.func @transform_0(%arg0: i32, %arg1: i32) -> (i32, i32, i32) {
    %c0_i32 = arith.constant 0 : i32
    %c0_i32_0 = arith.constant 0 : i32
    %c0_i32_1 = arith.constant 0 : i32
    return %arg0, %c0_i32, %c0_i32_0 : i32, i32, i32
  }
  func.func @transform_1(%arg0: i32, %arg1: i32) -> (i32, i32) {
    %c0_i32 = arith.constant 0 : i32
    %c0_i32_0 = arith.constant 0 : i32
    return %arg1, %c0_i32 : i32, i32
  }
  func.func @transform_2(%arg0: i32, %arg1: i32) -> (i32, i32) {
    %c0_i32 = arith.constant 0 : i32
    %c0_i32_0 = arith.constant 0 : i32
    %c0_i32_1 = arith.constant 0 : i32
    return %c0_i32, %c0_i32_0 : i32, i32
  }
  func.func @transform_3(%arg0: i32, %arg1: i32) -> (i32, i32, i32) {
    %c0_i32 = arith.constant 0 : i32
    %c0_i32_0 = arith.constant 0 : i32
    return %arg0, %arg1, %c0_i32 : i32, i32, i32
  }
}

</mosaic_0001>

<sc_bundles>
// kernel: kernel.8.cloned.1.call-start
scs
__scs_entry_jumppad:
0x0: {  	(pc) =	sbr.rel $0x88, $3  }
0x1: {  	(tag) =	ssettag $0x0;
	lr =	simm.s32 $0x1  }
0x2: {  	[smem:$0x3F94] =	sst lr;
	_ =	strace $0xD0000000  }
0x3: {  	_ = 	snop  }
0x4: {  	_ = 	snop  }
0x5: {  	_ = 	snop  }
0x6: {  	_ = 	snop  }
0x7: {  	_ = 	snop  }
__scs_overlays_trampoline_lowered:
0x8: {  	[smem:$0x3FA3] =	sst s0  }
0x9: {  	[smem:$0x3FA4] =	sst s1  }
0xa: {  	[smem:$0x3FA5] =	sst s2  }
0xb: {  	[smem:$0x3FA6] =	sst s3  }
0xc: {  	[smem:$0x3FA7] =	sst s4  }
0xd: {  	[smem:$0x3FA8] =	sst s5  }
0xe: {  	[smem:$0x3FA9] =	sst s6  }
0xf: {  	[smem:$0x3FAA] =	sst s7  }
0x10: {  	[smem:$0x3FAB] =	sst s8  }
0x11: {  	[smem:$0x3FAC] =	sst s9;
	s0 =	simm.s32 @!p0 $0x0  }
0x12: {  	s1 =	sld [smem:$0x3F92];
	s0 =	simm.s32 @p0 $0x1  }
0x13: {  	[smem:$0x3FAD] =	sst s0;
	s0 =	simm.s32 @!p1 $0x0  }
0x14: {  	s2 =	sld [smem:$0x3F91];
	s0 =	simm.s32 @p1 $0x1  }
0x15: {  	[smem:$0x3FAE] =	sst s0;
	s0 =	simm.s32 @!p2 $0x0  }
0x16: {  	s3 =	sld [smem:$0x3FDB];
	s0 =	simm.s32 @p2 $0x1  }
0x17: {  	s4 =	simm.s32 $0x1BF5;
	[smem:$0x3FB0] =	sst s0  }
0x18: {  	s0 =	sld [smem:$0x3F93];
	_ =	swait.ge [sflag:s4], $0x0  }
0x19: {  	s7 =	sld [smem:$0x3F94]  }
0x1a: {  	s8 =	sadd.s32 $0xFFFFE003, lr  }
0x1b: {  	s9 =	sadd.s32 $0xFFFFFEF7, lr;
	s5 =	simm.s32 $0xFFFFFFFF;
	p2 =	slt.u32 s8, $0xFFFFF086  }
0x1c: {  	p1 =	slt.u32 s9, $0xF7A;
	s5 =	simm.s32 @!p2 $0x0  }
0x1d: {  	s5 =	simm.s32 @p1 $0x1;
	p0 =	seq.s32 s7, s2  }
0x1e: {  	s7 =	smul.u32 @!p0 $0xF7A, s2;
	p2 =	seq.s32 @!p0 s5, $0x0  }
0x1f: {  	s9 =	smul.u32 $0xF7A, s1;
	s8 =	simm.s32 @!p0 $0x1BF5;
	p2 =	por !p2, p0  }
0x20: {  	[sflag:s8] =	ssyncset.s32 @!p0 $0xFFFFF086;
	s6 =	sadd.s32 @!p0 s3, s7;
	s7 =	simm.s32 @!p0 $0x108  }
0x21: {  	s3 =	sadd.s32 s3, s9;
	s6 =	sadd.s32 @!p0 $0x88, s6;
	s7 =	simm.s32 @p2 $0x1082  }
0x22: {  	[simem:s7], [sflag:s8] =	dma.local @!p0 [hbm:s6], $0xF7A  }
0x23: {  	s9 =	sor.u32 $0xD0000000, s2;
	s6 =	simm.s32 $0x108;
	_ =	swait.ge @!p0 [sflag:s8], $0x0  }
0x24: {  	s3 =	sadd.s32 $0x88, s3;
	s6 =	simm.s32 @!p1 $0x1082;
	[sflag:s4] =	ssyncset.s32 $0xFFFFF086  }
0x25: {  	[simem:s6], [sflag:s4] =	dma.local [hbm:s3], $0xF7A  }
0x26: {  	[smem:$0x3F94] =	sst s1;
	(tag) =	ssettag s2;
	_ =	strace s9  }
0x27: {  	s1 =	sld [smem:$0x3FA4]  }
0x28: {  	s2 =	sld [smem:$0x3FA5]  }
0x29: {  	s4 =	sld [smem:$0x3FA7]  }
0x2a: {  	p0 =	seq.s32 s5, $0x0;
	s5 =	sld [smem:$0x3FA8]  }
0x2b: {  	s6 =	sld [smem:$0x3FA9]  }
0x2c: {  	s7 =	sld [smem:$0x3FAA]  }
0x2d: {  	s3 =	simm.s32 $0x108;
	s8 =	sld [smem:$0x3FAB]  }
0x2e: {  	s3 =	simm.s32 @!p0 $0x1082;
	s9 =	sld [smem:$0x3FAC]  }
0x2f: {  	lr =	sadd.s32 s0, s3;
	s0 =	sld [smem:$0x3FA3]  }
0x30: {  	s3 =	sld [smem:$0x3FA6]  }
0x31: {  	[smem:$0x3FAF] =	sst s10  }
0x32: {  	s10 =	sld [smem:$0x3FAD];
	_ =	sdelay $0x3  }
0x33: {  	p0 =	seq.s32 s10, $0x1;
	s10 =	sld [smem:$0x3FAF];
	_ =	sdelay $0x3  }
0x34: {  	[smem:$0x3FAF] =	sst s10  }
0x35: {  	s10 =	sld [smem:$0x3FAE];
	_ =	sdelay $0x3  }
0x36: {  	p1 =	seq.s32 s10, $0x1;
	s10 =	sld [smem:$0x3FAF];
	_ =	sdelay $0x3  }
0x37: {  	[smem:$0x3FAF] =	sst s10  }
0x38: {  	s10 =	sld [smem:$0x3FB0]  }
0x39: {  	_ = 	snop;
	(pc) =	sbr.ind lr, $3  }
0x3a: {  	_ = 	snop  }
0x3b: {  	_ = 	snop  }
0x3c: {  	p2 =	seq.s32 s10, $0x1;
	s10 =	sld [smem:$0x3FAF]  }
0x3d: {  	_ =	shalt  }
0x3e: {  	_ =	shalt  }
0x3f: {  	_ =	shalt  }
0x40: {  	_ =	shalt  }
0x41: {  	_ =	shalt  }
0x42: {  	_ =	shalt  }
0x43: {  	_ =	shalt  }
0x44: {  	_ =	shalt  }
0x45: {  	_ =	shalt  }
0x46: {  	_ =	shalt  }
0x47: {  	_ =	shalt  }
0x48: {  	_ =	shalt  }
0x49: {  	_ =	shalt  }
0x4a: {  	_ =	shalt  }
0x4b: {  	_ =	shalt  }
0x4c: {  	_ =	shalt  }
0x4d: {  	_ =	shalt  }
0x4e: {  	_ =	shalt  }
0x4f: {  	_ =	shalt  }
0x50: {  	_ =	shalt  }
0x51: {  	_ =	shalt  }
0x52: {  	_ =	shalt  }
0x53: {  	_ =	shalt  }
0x54: {  	_ =	shalt  }
0x55: {  	_ =	shalt  }
0x56: {  	_ =	shalt  }
0x57: {  	_ =	shalt  }
0x58: {  	_ =	shalt  }
0x59: {  	_ =	shalt  }
0x5a: {  	_ =	shalt  }
0x5b: {  	_ =	shalt  }
0x5c: {  	_ =	shalt  }
0x5d: {  	_ =	shalt  }
0x5e: {  	_ =	shalt  }
0x5f: {  	_ =	shalt  }
0x60: {  	_ =	shalt  }
0x61: {  	_ =	shalt  }
0x62: {  	_ =	shalt  }
0x63: {  	_ =	shalt  }
0x64: {  	_ =	shalt  }
0x65: {  	_ =	shalt  }
0x66: {  	_ =	shalt  }
0x67: {  	_ =	shalt  }
0x68: {  	_ =	shalt  }
0x69: {  	_ =	shalt  }
0x6a: {  	_ =	shalt  }
0x6b: {  	_ =	shalt  }
0x6c: {  	_ =	shalt  }
0x6d: {  	_ =	shalt  }
0x6e: {  	_ =	shalt  }
0x6f: {  	_ =	shalt  }
0x70: {  	_ =	shalt  }
0x71: {  	_ =	shalt  }
0x72: {  	_ =	shalt  }
0x73: {  	_ =	shalt  }
0x74: {  	_ =	shalt  }
0x75: {  	_ =	shalt  }
0x76: {  	_ =	shalt  }
0x77: {  	_ =	shalt  }
0x78: {  	_ =	shalt  }
0x79: {  	_ =	shalt  }
0x7a: {  	_ =	shalt  }
0x7b: {  	_ =	shalt  }
0x7c: {  	_ =	shalt  }
0x7d: {  	_ =	shalt  }
0x7e: {  	_ =	shalt  }
0x7f: {  	_ =	shalt  }
0x80: {  	_ =	shalt  }
0x81: {  	_ =	shalt  }
0x82: {  	_ =	shalt  }
0x83: {  	_ =	shalt  }
0x84: {  	_ =	shalt  }
0x85: {  	_ =	shalt  }
0x86: {  	_ =	shalt  }
0x87: {  	_ =	shalt  }
.Lfunc_end0:
.L_simem_size_0:
called_computation_lowered:
.L_overlay_start_0:
0x88: {  	s2 =	sld [smem:$0x3FD9]  }
0x89: {  	s3 =	sld [smem:$0x3FFE];
	_ =	sdelay $0x1  }
0x8a: {  	s1 =	srdreg.scid  }
0x8b: {  	s0 =	sand.u32 $0x1, s1  }
0x8c: {  	s17 =	sshll.u32 s0, $0xA;
	s2 =	sadd.s32 s3, s2  }
0x8d: {  	s2 =	sadd.s32 s2, s17  }
0x8e: {  	[smem:$0x3FBB] =	sst s2  }
0x8f: {  	_ = 	snop  }
0x90: {  	s2 =	sld [smem:$0x3FD0];
	(tm) =	ssettm $0x1  }
0x91: {  	s18 =	sld [smem:$0x3FFB];
	_ =	sdelay $0x3  }
0x92: {  	_ =	strace s18  }
0x93: {  	s3 =	sld [smem:$0x3FFC];
	_ =	sdelay $0x3  }
0x94: {  	_ =	strace s3  }
0x95: {  	s3 =	sld [smem:$0x3FFD];
	_ =	sdelay $0x3  }
0x96: {  	_ =	strace s3  }
0x97: {  	_ =	strace $0x8FFFFFFF  }
0x98: {  	s19 =	sld [smem:$0x3FDB];
	_ =	sdelay $0x1  }
0x99: {  	s4 =	simm.s32 $_scs_section_size  }
0x9a: {  	s5 =	simm.s32 $_size__tile_overlayer_lowered;
	s6 =	simm.s32 $_tile_overlayer_lowered  }
0x9b: {  	s22 =	simm.s32 $0x1BFF;
	s21 =	sshll.u32 s6, $0x1;
	s3 =	sadd.s32 s4, s19  }
0x9c: {  	s7 =	simm.s32 $0x0;
	s20 =	sshll.u32 s5, $0x1;
	s5 =	sadd.s32 s21, s3  }
0x9d: {  	[timem:s7], [sflag:s22] =	dma.local [hbm:s5], s20  }
0x9e: {  	_ =	swait.ge [sflag:s22], s20  }
0x9f: {  	s4 =	ssub.s32 $0x0, s20;
	[sflag:s22] =	ssyncset.done $0x0  }
0xa0: {  	[sflag:s22] =	ssyncadd.s32 s4;
	_ =	sdelay $0x1  }
0xa1: {  	s23 =	simm.s32 $0x1B8B  }
0xa2: {  	_ =	swait.ge [sflag:s23], $0x1  }
0xa3: {  	[sflag:s23] =	ssyncset.done $0x0  }
0xa4: {  	s25 =	simm.s32 $0x1B8E;
	s24 =	sld [smem:$0x3FFE];
	[sflag:s23] =	ssyncadd.s32 $0xFFFFFFFF  }
0xa5: {  	s26 =	simm.s32 $execute0_lowered;
	[smem:$0x3FD2] =	sst s25  }
0xa6: {  	s5 =	sshll.u32 s26, $0x1;
	_ =	strace $0x80000046;
	[dreg:$0x1] =	wrdreg $0xFFFFFFFF  }
0xa7: {  	s28 =	simm.s32 $_size_execute0_lowered;
	s3 =	sadd.s32 s3, s5;
	[dreg:$0x0] =	wrdreg $0x0  }
0xa8: {  	s5 =	sshll.u32 s28, $0x1;
	[dreg:$0x2] =	wrdreg s3  }
0xa9: {  	[dreg:$0x3] =	wrdreg s5  }
0xaa: {  	[dreg:$0x4] =	wrdreg $0xC0  }
0xab: {  	_ =	task [dreg:s7], $0x5FFFF  }
0xac: {  	[dreg:$0x1] =	wrdreg $0xFFFFFFFF  }
0xad: {  	[dreg:$0x0] =	wrdreg $0x60  }
0xae: {  	[dreg:$0x2] =	wrdreg s24  }
0xaf: {  	[dreg:$0x3] =	wrdreg s2  }
0xb0: {  	[dreg:$0x4] =	wrdreg $0x100080  }
0xb1: {  	[dreg:$0x5] =	wrdreg $0x0  }
0xb2: {  	[dreg:$0x6] =	wrdreg $0x9  }
0xb3: {  	_ =	task.clear_ibuf [dreg:s7], $0x7FFFF;
	_ =	strace $0x90000046  }
0xb4: {  	s29 =	simm.s32 $0x9;
	_ =	strace $0x80000048  }
0xb5: {  	_ =	swait.ge [sflag:s29], $0x1  }
0xb6: {  	[sflag:s29] =	ssyncadd.s32 $0xFFFFFFFF  }
0xb7: {  	_ =	strace $0x90000048  }
0xb8: {  	_ =	sfence  }
0xb9: {  	s30 =	sld [smem:$0x0];
	_ =	sdelay $0x2  }
0xba: {  	s31 =	sshll.u32 s1, $0xD;
	s1 =	sshrl.u32 s1, $0x2  }
0xbb: {  	s3 =	sand.u32 $0x4000, s31;
	s1 =	sadd.s32 s1, s30  }
0xbc: {  	s0 =	sor.u32 s3, s0;
	s1 =	sshll.u32 s1, $0x11  }
0xbd: {  	s0 =	sor.u32 s1, s0  }
0xbe: {  	s0 =	sadd.s32 $0x8F2B, s0  }
0xbf: {  	[sflag:s0] =	ssyncadd.remote.s32 $0x1  }
0xc0: {  	_ =	sfence.sel $0xFFFF  }
0xc1: {  	[dreg:$0x0] =	wrdreg $0xFFFFFFFF;
	(pc) =	sbr.abs _section_cstart, $3  }
0xc2: {  	[dreg:$0x1] =	wrdreg $0xFFFFFFFF  }
0xc3: {  	_ =	task.clear_ibuf [dreg:s7], $0x2FFFF;
	_ =	strace $0x9FFFFFFF  }
0xc4: {  	(tm) =	ssettm $0x7FFFFFFF  }
0xc5: {  	_ =	shalt  }
tec
execute0_lowered:
.L_overlay_start_1:
0x0: {  	(tag) =	ssettag $0x1  }
0x1: {  	s0 =	rddreg [dreg:$0x0]  }
0x2: {  	s10 =	rddreg [dreg:$0x2]  }
0x3: {  	s9 =	rddreg [dreg:$0x3];
	s1 =	simm.s32 $0x0  }
0x4: {  	s17 =	srdreg.scid;
	s21 =	stileid.u32;
	s28 =	simm.s32 $0x1C210  }
0x5: {  	s29 =	simm.s32 $0x10210;
	s30 =	simm.s32 $0x11210;
	s31 =	simm.s32 $0x12210  }
0x6: {  	[smem:$0x7FF] =	sst s1;
	s2 =	sadd.s32 $0xAA00, s0;
	s1 =	sand.u32 $0x1, s17  }
0x7: {  	s3 =	sadd.s32 $0x6A00, s0;
	s4 =	sshll.u32 s21, $0xE;
	s6 =	sadd.s32 $0x2A00, s0  }
0x8: {  	s7 =	sadd.s32 $0x8EA00, s0;
	s19 =	sshll.u32 s21, $0x10;
	s25 =	sshll.u32 s21, $0xA  }
0x9: {  	p0 =	sne.s32 s21, $0x0;
	s21 =	simm.s32 $0x17210;
	_ =	strace $0x80000047  }
0xa: {  	s5 =	sshll.u32 s1, $0x12;
	[dreg:$0x5] =	wrdreg s7;
	s18 =	ssub.s32 $0x2, s1  }
0xb: {  	s8 =	sshll.u32 s1, $0xA;
	s7 =	sadd.s32 s19, s9;
	s15 =	sadd.s32 s2, s25  }
0xc: {  	s26 =	sor.u32 $0x200, s25;
	s16 =	sadd.s32 s3, s25;
	s17 =	sadd.s32 s6, s25  }
0xd: {  	s25 =	simm.s32 $0x13210;
	s4 =	sor.u32 s5, s4;
	s20 =	sshrl.u32 s18, $0x1  }
0xe: {  	s22 =	sadd.s32 $0x2000, s7;
	s23 =	sadd.s32 $0x4000, s7;
	s24 =	sadd.s32 $0x6000, s7  }
0xf: {  	s11 =	sadd.s32 $0x8000, s7;
	s12 =	sadd.s32 $0xA000, s7;
	s13 =	sadd.s32 $0xC000, s7  }
0x10: {  	s14 =	sadd.s32 $0xE000, s7;
	s19 =	sadd.s32 s3, s26;
	[dreg:$0x6] =	wrdreg s22  }
0x11: {  	s5 =	simm.s32 $0x1B210;
	s4 =	sadd.s32 s4, s0;
	[dreg:$0x7] =	wrdreg s23  }
0x12: {  	s0 =	sadd.s32 s8, s0;
	s1 =	ssub.s32 s18, s20;
	[dreg:$0x8] =	wrdreg s24  }
0x13: {  	s18 =	sadd.s32 s2, s26;
	s20 =	sadd.s32 s6, s26;
	s9 =	sadd.s32 $0x8F200, s4  }
0x14: {  	s24 =	sadd.s32 $0x400, s8;
	s22 =	sadd.s32 $0x8F210, s4;
	[dreg:$0x9] =	wrdreg s9  }
0x15: {  	s26 =	simm.s32 $0x2;
	s0 =	sadd.s32 $0x10F200, s0;
	[dreg:$0xa] =	wrdreg s22  }
0x16: {  	v0 =	vmov s8;
	s8 =	smov.u32 s10;
	s23 =	smax.u32 s1, $0x1;
	[dreg:$0xb] =	wrdreg s0  }
0x17: {  	s1 =	simm.s32 $0x1;
	v1 =	vmov s24;
	s24 =	simm.s32 $0x0;
	[dreg:$0xc] =	wrdreg s23  }
0x18: {  	v2 =	vimm.f32 $0.0e+00;
	s0 =	simm.s32 $0x1000;
	s9 =	simm.s32 $0x19210;
	s22 =	simm.s32 $0x1A210  }
.LBB2_1:
0x19: {  	s2 =	simm.s32 $0x0;
	s3 =	rddreg [dreg:$0x5]  }
0x1a: {  	[tilespmem:s25], [sflag:$0x2] =	stream.linear.gather [hbm4b:s3+s2], $0x4000, $0x38;
	[tilespmem:$0x1E210] =	vst v63  }
0x1b: {  	_ =	swait.ge [sflag:s26], $0x4000  }
0x1c: {  	[sflag:s26] =	ssyncset.done $0x0  }
0x1d: {  	s2 =	simm.s32 $0x40;
	s3 =	simm.s32 $0x0;
	[sflag:s26] =	ssyncadd.s32 $0xFFFFC000  }
.LBB2_2:
0x1e: {  	p1 =	sne.s32 s2, $0x7FC0;
	[tilespmem:s3+$0x1C210] =	vst v2;
	s3 =	smov.u32 s2;
	s2 =	sadd.s32 $0x40, s2  }
.Ltmp0:
0x1f: {  	(pc) =	sbr.rel @p1 .LBB2_2-.Ltmp0, $2  }
0x20: {  	_ =	sdelay $0x2  }
0x21: {  	s3 =	sshra.s32 s3, $0x2  }
0x22: {  	[tilespmem:s3+$0x1C210] =	vst v2;
	s2 =	simm.s32 @!p0 $0x1C210  }
0x23: {  	[spmem:s8] =	stream.linear.scatter @!p0 [tilespmem:s2], [sflag:$0x2], $0x2000, $0x38;
	[tilespmem:$0x1E210] =	vst v63  }
0x24: {  	s2 =	simm.s32 @!p0 $0x2  }
0x25: {  	_ =	swait.ge @!p0 [sflag:s2], $0x2000  }
0x26: {  	[sflag:s2] =	ssyncset.done @!p0 $0x0  }
0x27: {  	[sflag:s2] =	ssyncadd.s32 @!p0 $0xFFFFE000  }
0x28: {  	[spmem:s7] =	stream.linear.scatter [tilespmem:s28], [sflag:$0x2], $0x2000, $0x38;
	[tilespmem:$0x1E210] =	vst v63  }
0x29: {  	_ =	swait.ge [sflag:s26], $0x2000  }
0x2a: {  	[sflag:s26] =	ssyncset.done $0x0  }
0x2b: {  	s4 =	rddreg [dreg:$0x6];
	[sflag:s26] =	ssyncadd.s32 $0xFFFFE000  }
0x2c: {  	[spmem:s4] =	stream.linear.scatter [tilespmem:s28], [sflag:$0x2], $0x2000, $0x38;
	[tilespmem:$0x1E210] =	vst v63  }
0x2d: {  	_ =	swait.ge [sflag:s26], $0x2000  }
0x2e: {  	[sflag:s26] =	ssyncset.done $0x0  }
0x2f: {  	s6 =	rddreg [dreg:$0x7];
	[sflag:s26] =	ssyncadd.s32 $0xFFFFE000  }
0x30: {  	[spmem:s6] =	stream.linear.scatter [tilespmem:s28], [sflag:$0x2], $0x2000, $0x38;
	[tilespmem:$0x1E210] =	vst v63  }
0x31: {  	_ =	swait.ge [sflag:s26], $0x2000  }
0x32: {  	[sflag:s26] =	ssyncset.done $0x0  }
0x33: {  	s10 =	rddreg [dreg:$0x8];
	[sflag:s26] =	ssyncadd.s32 $0xFFFFE000  }
0x34: {  	[spmem:s10] =	stream.linear.scatter [tilespmem:s28], [sflag:$0x2], $0x2000, $0x38;
	[tilespmem:$0x1E210] =	vst v63  }
0x35: {  	_ =	swait.ge [sflag:s26], $0x2000  }
0x36: {  	[sflag:s26] =	ssyncset.done $0x0  }
0x37: {  	[sflag:s26] =	ssyncadd.s32 $0xFFFFE000  }
0x38: {  	[spmem:s11] =	stream.linear.scatter [tilespmem:s28], [sflag:$0x2], $0x2000, $0x38;
	[tilespmem:$0x1E210] =	vst v63  }
0x39: {  	_ =	swait.ge [sflag:s26], $0x2000  }
0x3a: {  	[sflag:s26] =	ssyncset.done $0x0  }
0x3b: {  	[sflag:s26] =	ssyncadd.s32 $0xFFFFE000  }
0x3c: {  	[spmem:s12] =	stream.linear.scatter [tilespmem:s28], [sflag:$0x2], $0x2000, $0x38;
	[tilespmem:$0x1E210] =	vst v63  }
0x3d: {  	_ =	swait.ge [sflag:s26], $0x2000  }
0x3e: {  	[sflag:s26] =	ssyncset.done $0x0  }
0x3f: {  	[sflag:s26] =	ssyncadd.s32 $0xFFFFE000  }
0x40: {  	[spmem:s13] =	stream.linear.scatter [tilespmem:s28], [sflag:$0x2], $0x2000, $0x38;
	[tilespmem:$0x1E210] =	vst v63  }
0x41: {  	_ =	swait.ge [sflag:s26], $0x2000  }
0x42: {  	[sflag:s26] =	ssyncset.done $0x0  }
0x43: {  	[sflag:s26] =	ssyncadd.s32 $0xFFFFE000  }
0x44: {  	[spmem:s14] =	stream.linear.scatter [tilespmem:s28], [sflag:$0x2], $0x2000, $0x38;
	[tilespmem:$0x1E210] =	vst v63  }
0x45: {  	_ =	swait.ge [sflag:s26], $0x2000  }
0x46: {  	[sflag:s26] =	ssyncset.done $0x0  }
0x47: {  	[sflag:s26] =	ssyncadd.s32 $0xFFFFE000  }
0x48: {  	s23 =	simm.s32 $0x0;
	[bflag:$0x0] =	sbarrier.arrive $0xFFFF  }
0x49: {  	[tilespmem:s29], [sflag:$0x2] =	stream.linear.gather [hbm4b:s15+s23], $0x1000, $0x38;
	[tilespmem:$0x1E210] =	vst v63  }
0x4a: {  	_ =	swait.ge [sflag:s26], $0x1000  }
0x4b: {  	[sflag:s26] =	ssyncset.done $0x0  }
0x4c: {  	[sflag:s26] =	ssyncadd.s32 $0xFFFFF000  }
0x4d: {  	[tilespmem:s30], [sflag:$0x2] =	stream.linear.gather [hbm4b:s16+s23], $0x1000, $0x38;
	[tilespmem:$0x1E210] =	vst v63  }
0x4e: {  	_ =	swait.ge [sflag:s26], $0x1000  }
0x4f: {  	[sflag:s26] =	ssyncset.done $0x0  }
0x50: {  	[sflag:s26] =	ssyncadd.s32 $0xFFFFF000  }
0x51: {  	[tilespmem:s31], [sflag:$0x2] =	stream.linear.gather [hbm4b:s17+s23], $0x1000, $0x38;
	[tilespmem:$0x1E210] =	vst v63  }
0x52: {  	_ =	swait.ge [sflag:s26], $0x1000  }
0x53: {  	[sflag:s26] =	ssyncset.done $0x0  }
0x54: {  	s23 =	simm.s32 $0x0;
	[sflag:s26] =	ssyncadd.s32 $0xFFFFF000  }
0x55: {  	v4 =	vld [tilespmem:s23+$0x12210]  }
0x56: {  	v6 =	vld [tilespmem:s23+$0x11210];
	_ =	sdelay $0x1  }
0x57: {  	v8 =	vld [tilespmem:s23+$0x10210];
	_ =	sdelay $0x1  }
0x58: {  	v3 =	vshll.u32 v4, $0x3  }
0x59: {  	s4 =	simm.s32 $0x10;
	v9 =	vadd.s32 v6, v3  }
0x5a: {  	vm0 =	vge.s32 v4, v0;
	vm1 =	vlt.s32 v4, v1;
	v5 =	vsub.s32 v4, v0;
	v3 =	vld [tilespmem:s4+$0x12210]  }
0x5b: {  	v7 =	vld [tilespmem:s4+$0x11210];
	vm0 =	vmand vm0, vm1;
	vm1 =	vlt.u32 v8, $0x400;
	v10 =	vshll.u32 v5, $0xA  }
0x5c: {  	vm1 =	vmand vm1, vm0;
	v10 =	vadd.s32 v8, v10  }
0x5d: {  	v4 =	vshll.u32 v4, $0xB;
	v11 =	vshll.u32 v5, $0x3;
	v5 =	vld [tilespmem:s4+$0x10210];
	v10 =	vnsel vm1, $0x100000, v10  }
0x5e: {  	v4 =	vadd.s32 v8, v4;
	v11 =	vadd.s32 v6, v11;
	v6 =	vld.idx.msk [tilespmem:v9+s25+$0x0], $0xffff;
	[tilespmem:s23+$0x17210] =	vst v10  }
0x5f: {  	v9 =	vnsel vm0, $0x2000, v11;
	v10 =	vshll.u32 v3, $0x3;
	[tilespmem:s23+$0x19210] =	vst v4  }
0x60: {  	s6 =	simm.s32 $0x20;
	[tilespmem:s23+$0x18210] =	vst v9;
	v8 =	vadd.s32 v7, v10  }
0x61: {  	s3 =	simm.s32 $0x100;
	s2 =	simm.s32 $0xC0;
	vm0 =	vge.s32 v3, v0;
	vm1 =	vlt.s32 v3, v1;
	v9 =	vsub.s32 v3, v0;
	v4 =	vld [tilespmem:s6+$0x12210]  }
.LBB2_4:
0x62: {  	p1 =	sne.s32 s3, $0x3FC0;
	v10 =	vld [tilespmem:s6+$0x11210];
	vm0 =	vmand vm0, vm1;
	vm1 =	vlt.u32 v5, $0x400;
	v11 =	vshll.u32 v9, $0xA;
	v12 =	vmovc v5  }
0x63: {  	v9 =	vshll.u32 v9, $0x3;
	vm1 =	vmand vm1, vm0;
	v11 =	vadd.s32 v12, v11  }
.Ltmp1:
0x64: {  	v7 =	vadd.s32 v7, v9;
	v5 =	vld [tilespmem:s6+$0x10210];
	v11 =	vnsel vm1, $0x100000, v11;
	[tilespmem:s23+$0x1A210] =	vst v6;
	s23 =	smov.u32 s4;
	s4 =	smov.u32 s6;
	(pc) =	sbr.rel @p1 .LBB2_4-.Ltmp1, $4  }
0x65: {  	v9 =	vshll.u32 v3, $0xB;
	v6 =	vld.idx.msk [tilespmem:v8+s25+$0x0], $0xffff;
	[tilespmem:s23+$0x17210] =	vst v11;
	v11 =	vnsel vm0, $0x2000, v7  }
0x66: {  	v9 =	vadd.s32 v12, v9;
	v8 =	vshll.u32 v4, $0x3;
	[tilespmem:s23+$0x18210] =	vst v11;
	v3 =	vmov v4  }
0x67: {  	s6 =	sshra.s32 s2, $0x2;
	s2 =	smov.u32 s3;
	v8 =	vadd.s32 v10, v8;
	[tilespmem:s23+$0x19210] =	vst v9;
	v7 =	vmov v10  }
0x68: {  	s3 =	sadd.s32 $0x40, s3;
	vm0 =	vge.s32 v3, v0;
	vm1 =	vlt.s32 v3, v1;
	v9 =	vsub.s32 v3, v0;
	v4 =	vld [tilespmem:s6+$0x12210]  }
0x69: {  	_ = 	snop  }
0x6a: {  	vm0 =	vmand vm0, vm1;
	vm1 =	vlt.u32 v5, $0x400  }
0x6b: {  	v10 =	vld [tilespmem:s6+$0x11210];
	v11 =	vshll.u32 v9, $0xA;
	v9 =	vshll.u32 v9, $0x3;
	v3 =	vshll.u32 v3, $0xB  }
0x6c: {  	v12 =	vld [tilespmem:s6+$0x10210];
	vm1 =	vmand vm1, vm0;
	v11 =	vadd.s32 v5, v11;
	[tilespmem:s23+$0x1A210] =	vst v6;
	v3 =	vadd.s32 v5, v3  }
0x6d: {  	v7 =	vadd.s32 v7, v9;
	v6 =	vnsel vm1, $0x100000, v11;
	v8 =	vld.idx.msk [tilespmem:v8+s25+$0x0], $0xffff;
	[tilespmem:s4+$0x19210] =	vst v3  }
0x6e: {  	[tilespmem:s4+$0x17210] =	vst v6;
	v6 =	vnsel vm0, $0x2000, v7  }
0x6f: {  	s2 =	sshra.s32 s2, $0x2;
	[tilespmem:s4+$0x18210] =	vst v6;
	v5 =	vshll.u32 v4, $0x3  }
0x70: {  	v3 =	vadd.s32 v10, v5;
	v5 =	vld [tilespmem:s2+$0x12210]  }
0x71: {  	v6 =	vld [tilespmem:s2+$0x11210]  }
0x72: {  	vm0 =	vge.s32 v4, v0;
	vm1 =	vlt.s32 v4, v1  }
0x73: {  	v7 =	vsub.s32 v4, v0;
	vm0 =	vmand vm0, vm1  }
0x74: {  	vm1 =	vlt.u32 v12, $0x400;
	v9 =	vld [tilespmem:s2+$0x10210];
	v11 =	vshll.u32 v7, $0xA;
	v7 =	vshll.u32 v7, $0x3;
	[tilespmem:s4+$0x1A210] =	vst v8  }
0x75: {  	vm1 =	vmand vm1, vm0;
	v8 =	vadd.s32 v12, v11;
	v3 =	vld.idx.msk [tilespmem:v3+s25+$0x0], $0xffff;
	v11 =	vshll.u32 v5, $0x3  }
0x76: {  	v7 =	vadd.s32 v10, v7;
	v8 =	vnsel vm1, $0x100000, v8;
	v10 =	vadd.s32 v6, v11  }
0x77: {  	v4 =	vshll.u32 v4, $0xB;
	v7 =	vnsel vm0, $0x2000, v7;
	[tilespmem:s6+$0x17210] =	vst v8  }
0x78: {  	v4 =	vadd.s32 v12, v4;
	[tilespmem:s6+$0x18210] =	vst v7  }
0x79: {  	[tilespmem:s6+$0x19210] =	vst v4;
	vm0 =	vge.s32 v5, v0;
	vm1 =	vlt.s32 v5, v1;
	v4 =	vsub.s32 v5, v0  }
0x7a: {  	vm0 =	vmand vm0, vm1;
	vm1 =	vlt.u32 v9, $0x400;
	v7 =	vshll.u32 v4, $0xA;
	[tilespmem:s6+$0x1A210] =	vst v3  }
0x7b: {  	v4 =	vshll.u32 v4, $0x3;
	vm1 =	vmand vm1, vm0;
	v3 =	vadd.s32 v9, v7;
	v7 =	vld.idx.msk [tilespmem:v10+s25+$0x0], $0xffff  }
0x7c: {  	v4 =	vadd.s32 v6, v4;
	v3 =	vnsel vm1, $0x100000, v3  }
0x7d: {  	[tilespmem:s2+$0x17210] =	vst v3;
	v3 =	vnsel vm0, $0x2000, v4;
	v4 =	vshll.u32 v5, $0xB  }
0x7e: {  	[tilespmem:s2+$0x18210] =	vst v3;
	v3 =	vadd.s32 v9, v4  }
0x7f: {  	[tilespmem:s2+$0x19210] =	vst v3  }
0x80: {  	s4 =	rddreg [dreg:$0x1];
	[tilespmem:s2+$0x1A210] =	vst v7  }
0x81: {  	[tilespmem:s5], [sflag:$0x1] =	stream.indirect.gather [hbm4b:s4+s0], $0x1, s9, s0, $0xb8;
	[tilespmem:$0x1E210] =	vst v63  }
0x82: {  	_ =	swait.ge [sflag:s1], $0x1000  }
0x83: {  	[sflag:s1] =	ssyncset.done $0x0  }
0x84: {  	s6 =	simm.s32 $0x18210;
	[sflag:s1] =	ssyncadd.s32 $0xFFFFF000  }
0x85: {  	[spmem:s8] =	stream.indirect.scatter.add.f32 [tilespmem:s5], [sflag:$0x2], $0x1, s6, s0, $0xb8;
	[tilespmem:$0x1E210] =	vst v63  }
0x86: {  	_ =	swait.ge [sflag:s26], $0x1000  }
0x87: {  	[sflag:s26] =	ssyncset.done $0x0  }
0x88: {  	[sflag:s26] =	ssyncadd.s32 $0xFFFFF000  }
0x89: {  	s10 =	rddreg [dreg:$0x3]  }
0x8a: {  	[spmem:s10] =	stream.indirect.scatter.add.f32 [tilespmem:s22], [sflag:$0x2], $0x1, s21, s0, $0xb8;
	[tilespmem:$0x1E210] =	vst v63  }
0x8b: {  	_ =	swait.ge [sflag:s26], $0x1000  }
0x8c: {  	[sflag:s26] =	ssyncset.done $0x0  }
0x8d: {  	s23 =	simm.s32 $0x0;
	[sflag:s26] =	ssyncadd.s32 $0xFFFFF000  }
0x8e: {  	[tilespmem:s29], [sflag:$0x2] =	stream.linear.gather [hbm4b:s18+s23], $0x1000, $0x38;
	[tilespmem:$0x1E210] =	vst v63  }
0x8f: {  	_ =	swait.ge [sflag:s26], $0x1000  }
0x90: {  	[sflag:s26] =	ssyncset.done $0x0  }
0x91: {  	[sflag:s26] =	ssyncadd.s32 $0xFFFFF000  }
0x92: {  	[tilespmem:s30], [sflag:$0x2] =	stream.linear.gather [hbm4b:s19+s23], $0x1000, $0x38;
	[tilespmem:$0x1E210] =	vst v63  }
0x93: {  	_ =	swait.ge [sflag:s26], $0x1000  }
0x94: {  	[sflag:s26] =	ssyncset.done $0x0  }
0x95: {  	[sflag:s26] =	ssyncadd.s32 $0xFFFFF000  }
0x96: {  	[tilespmem:s31], [sflag:$0x2] =	stream.linear.gather [hbm4b:s20+s23], $0x1000, $0x38;
	[tilespmem:$0x1E210] =	vst v63  }
0x97: {  	_ =	swait.ge [sflag:s26], $0x1000  }
0x98: {  	[sflag:s26] =	ssyncset.done $0x0  }
0x99: {  	s23 =	simm.s32 $0x0;
	[sflag:s26] =	ssyncadd.s32 $0xFFFFF000  }
0x9a: {  	v4 =	vld [tilespmem:s23+$0x12210]  }
0x9b: {  	v6 =	vld [tilespmem:s23+$0x11210];
	_ =	sdelay $0x1  }
0x9c: {  	v8 =	vld [tilespmem:s23+$0x10210];
	_ =	sdelay $0x1  }
0x9d: {  	v3 =	vshll.u32 v4, $0x3  }
0x9e: {  	s4 =	simm.s32 $0x10;
	v9 =	vadd.s32 v6, v3  }
0x9f: {  	vm0 =	vge.s32 v4, v0;
	vm1 =	vlt.s32 v4, v1;
	v5 =	vsub.s32 v4, v0;
	v3 =	vld [tilespmem:s4+$0x12210]  }
0xa0: {  	v7 =	vld [tilespmem:s4+$0x11210];
	vm0 =	vmand vm0, vm1;
	vm1 =	vlt.u32 v8, $0x400;
	v10 =	vshll.u32 v5, $0xA  }
0xa1: {  	vm1 =	vmand vm1, vm0;
	v10 =	vadd.s32 v8, v10  }
0xa2: {  	v4 =	vshll.u32 v4, $0xB;
	v11 =	vshll.u32 v5, $0x3;
	v5 =	vld [tilespmem:s4+$0x10210];
	v10 =	vnsel vm1, $0x100000, v10  }
0xa3: {  	v4 =	vadd.s32 v8, v4;
	v11 =	vadd.s32 v6, v11;
	v6 =	vld.idx.msk [tilespmem:v9+s25+$0x0], $0xffff;
	[tilespmem:s23+$0x17210] =	vst v10  }
0xa4: {  	v9 =	vnsel vm0, $0x2000, v11;
	v10 =	vshll.u32 v3, $0x3;
	[tilespmem:s23+$0x19210] =	vst v4  }
0xa5: {  	s6 =	simm.s32 $0x20;
	[tilespmem:s23+$0x18210] =	vst v9;
	v8 =	vadd.s32 v7, v10  }
0xa6: {  	s3 =	simm.s32 $0x100;
	s2 =	simm.s32 $0xC0;
	vm0 =	vge.s32 v3, v0;
	vm1 =	vlt.s32 v3, v1;
	v9 =	vsub.s32 v3, v0;
	v4 =	vld [tilespmem:s6+$0x12210]  }
.LBB2_6:
0xa7: {  	p1 =	sne.s32 s3, $0x3FC0;
	v10 =	vld [tilespmem:s6+$0x11210];
	vm0 =	vmand vm0, vm1;
	vm1 =	vlt.u32 v5, $0x400;
	v11 =	vshll.u32 v9, $0xA;
	v12 =	vmovc v5  }
0xa8: {  	v9 =	vshll.u32 v9, $0x3;
	vm1 =	vmand vm1, vm0;
	v11 =	vadd.s32 v12, v11  }
.Ltmp2:
0xa9: {  	v7 =	vadd.s32 v7, v9;
	v5 =	vld [tilespmem:s6+$0x10210];
	v11 =	vnsel vm1, $0x100000, v11;
	[tilespmem:s23+$0x1A210] =	vst v6;
	s23 =	smov.u32 s4;
	s4 =	smov.u32 s6;
	(pc) =	sbr.rel @p1 .LBB2_6-.Ltmp2, $4  }
0xaa: {  	v9 =	vshll.u32 v3, $0xB;
	v6 =	vld.idx.msk [tilespmem:v8+s25+$0x0], $0xffff;
	[tilespmem:s23+$0x17210] =	vst v11;
	v11 =	vnsel vm0, $0x2000, v7  }
0xab: {  	v9 =	vadd.s32 v12, v9;
	v8 =	vshll.u32 v4, $0x3;
	[tilespmem:s23+$0x18210] =	vst v11;
	v3 =	vmov v4  }
0xac: {  	s6 =	sshra.s32 s2, $0x2;
	s2 =	smov.u32 s3;
	v8 =	vadd.s32 v10, v8;
	[tilespmem:s23+$0x19210] =	vst v9;
	v7 =	vmov v10  }
0xad: {  	s3 =	sadd.s32 $0x40, s3;
	vm0 =	vge.s32 v3, v0;
	vm1 =	vlt.s32 v3, v1;
	v9 =	vsub.s32 v3, v0;
	v4 =	vld [tilespmem:s6+$0x12210]  }
0xae: {  	_ = 	snop  }
0xaf: {  	vm0 =	vmand vm0, vm1;
	vm1 =	vlt.u32 v5, $0x400  }
0xb0: {  	v10 =	vld [tilespmem:s6+$0x11210];
	v11 =	vshll.u32 v9, $0xA;
	v9 =	vshll.u32 v9, $0x3;
	v3 =	vshll.u32 v3, $0xB  }
0xb1: {  	v12 =	vld [tilespmem:s6+$0x10210];
	vm1 =	vmand vm1, vm0;
	v11 =	vadd.s32 v5, v11;
	[tilespmem:s23+$0x1A210] =	vst v6;
	v3 =	vadd.s32 v5, v3  }
0xb2: {  	v7 =	vadd.s32 v7, v9;
	v6 =	vnsel vm1, $0x100000, v11;
	v8 =	vld.idx.msk [tilespmem:v8+s25+$0x0], $0xffff;
	[tilespmem:s4+$0x19210] =	vst v3  }
0xb3: {  	[tilespmem:s4+$0x17210] =	vst v6;
	v6 =	vnsel vm0, $0x2000, v7  }
0xb4: {  	s2 =	sshra.s32 s2, $0x2;
	[tilespmem:s4+$0x18210] =	vst v6;
	v5 =	vshll.u32 v4, $0x3  }
0xb5: {  	v3 =	vadd.s32 v10, v5;
	v5 =	vld [tilespmem:s2+$0x12210]  }
0xb6: {  	v6 =	vld [tilespmem:s2+$0x11210]  }
0xb7: {  	vm0 =	vge.s32 v4, v0;
	vm1 =	vlt.s32 v4, v1  }
0xb8: {  	v7 =	vsub.s32 v4, v0;
	vm0 =	vmand vm0, vm1  }
0xb9: {  	vm1 =	vlt.u32 v12, $0x400;
	v9 =	vld [tilespmem:s2+$0x10210];
	v11 =	vshll.u32 v7, $0xA;
	v7 =	vshll.u32 v7, $0x3;
	[tilespmem:s4+$0x1A210] =	vst v8  }
0xba: {  	vm1 =	vmand vm1, vm0;
	v8 =	vadd.s32 v12, v11;
	v3 =	vld.idx.msk [tilespmem:v3+s25+$0x0], $0xffff;
	v11 =	vshll.u32 v5, $0x3  }
0xbb: {  	v7 =	vadd.s32 v10, v7;
	v8 =	vnsel vm1, $0x100000, v8;
	v10 =	vadd.s32 v6, v11  }
0xbc: {  	v4 =	vshll.u32 v4, $0xB;
	v7 =	vnsel vm0, $0x2000, v7;
	[tilespmem:s6+$0x17210] =	vst v8  }
0xbd: {  	v4 =	vadd.s32 v12, v4;
	[tilespmem:s6+$0x18210] =	vst v7  }
0xbe: {  	[tilespmem:s6+$0x19210] =	vst v4;
	vm0 =	vge.s32 v5, v0;
	vm1 =	vlt.s32 v5, v1;
	v4 =	vsub.s32 v5, v0  }
0xbf: {  	vm0 =	vmand vm0, vm1;
	vm1 =	vlt.u32 v9, $0x400;
	v7 =	vshll.u32 v4, $0xA;
	[tilespmem:s6+$0x1A210] =	vst v3  }
0xc0: {  	v4 =	vshll.u32 v4, $0x3;
	vm1 =	vmand vm1, vm0;
	v3 =	vadd.s32 v9, v7;
	v7 =	vld.idx.msk [tilespmem:v10+s25+$0x0], $0xffff  }
0xc1: {  	v4 =	vadd.s32 v6, v4;
	v3 =	vnsel vm1, $0x100000, v3  }
0xc2: {  	[tilespmem:s2+$0x17210] =	vst v3;
	v3 =	vnsel vm0, $0x2000, v4;
	v4 =	vshll.u32 v5, $0xB  }
0xc3: {  	[tilespmem:s2+$0x18210] =	vst v3;
	v3 =	vadd.s32 v9, v4  }
0xc4: {  	[tilespmem:s2+$0x19210] =	vst v3  }
0xc5: {  	s3 =	rddreg [dreg:$0x1];
	[tilespmem:s2+$0x1A210] =	vst v7  }
0xc6: {  	[tilespmem:s5], [sflag:$0x1] =	stream.indirect.gather [hbm4b:s3+s0], $0x1, s9, s0, $0xb8;
	[tilespmem:$0x1E210] =	vst v63  }
0xc7: {  	_ =	swait.ge [sflag:s1], $0x1000  }
0xc8: {  	[sflag:s1] =	ssyncset.done $0x0  }
0xc9: {  	s4 =	simm.s32 $0x18210;
	[sflag:s1] =	ssyncadd.s32 $0xFFFFF000  }
0xca: {  	[spmem:s8] =	stream.indirect.scatter.add.f32 [tilespmem:s5], [sflag:$0x2], $0x1, s4, s0, $0xb8;
	[tilespmem:$0x1E210] =	vst v63  }
0xcb: {  	_ =	swait.ge [sflag:s26], $0x1000  }
0xcc: {  	[sflag:s26] =	ssyncset.done $0x0  }
0xcd: {  	[sflag:s26] =	ssyncadd.s32 $0xFFFFF000  }
0xce: {  	s6 =	rddreg [dreg:$0x3]  }
0xcf: {  	[spmem:s6] =	stream.indirect.scatter.add.f32 [tilespmem:s22], [sflag:$0x2], $0x1, s21, s0, $0xb8;
	[tilespmem:$0x1E210] =	vst v63  }
0xd0: {  	_ =	swait.ge [sflag:s26], $0x1000  }
0xd1: {  	s10 =	smov.u32 s8;
	[sflag:s26] =	ssyncset.done $0x0  }
0xd2: {  	s23 =	simm.s32 $0x10;
	s8 =	stileid.u32;
	[sflag:s26] =	ssyncadd.s32 $0xFFFFF000  }
0xd3: {  	s3 =	simm.s32 $0x20;
	s2 =	sshll.u32 s8, $0x6;
	[bflag:$0x0] =	sbarrier.arrive $0xFFFF  }
0xd4: {  	s4 =	sshrl.u32 s7, $0x3;
	s6 =	sor.u32 $0x1C02, s2;
	s9 =	rddreg [dreg:$0x9]  }
0xd5: {  	[hbm:s9@s3], [sflag:s6] =	dma.strided [spmem:s4@s23], $0x2000, s1, $0x10   }
0xd6: {  	_ =	swait.ge [sflag:s26], $0x2000  }
0xd7: {  	[sflag:s26] =	ssyncset.done $0x0  }
0xd8: {  	[sflag:s26] =	ssyncadd.s32 $0xFFFFE000  }
0xd9: {  	[bflag:$0x0] =	sbarrier.arrive $0xFFFF  }
0xda: {  	[spmem:s7] =	stream.linear.scatter [tilespmem:s28], [sflag:$0x2], $0x2000, $0x38;
	[tilespmem:$0x1E210] =	vst v63  }
0xdb: {  	_ =	swait.ge [sflag:s26], $0x2000  }
0xdc: {  	[sflag:s26] =	ssyncset.done $0x0  }
0xdd: {  	s3 =	rddreg [dreg:$0x6];
	[sflag:s26] =	ssyncadd.s32 $0xFFFFE000  }
0xde: {  	[spmem:s3] =	stream.linear.scatter [tilespmem:s28], [sflag:$0x2], $0x2000, $0x38;
	[tilespmem:$0x1E210] =	vst v63  }
0xdf: {  	_ =	swait.ge [sflag:s26], $0x2000  }
0xe0: {  	[sflag:s26] =	ssyncset.done $0x0  }
0xe1: {  	s8 =	rddreg [dreg:$0x7];
	[sflag:s26] =	ssyncadd.s32 $0xFFFFE000  }
0xe2: {  	[spmem:s8] =	stream.linear.scatter [tilespmem:s28], [sflag:$0x2], $0x2000, $0x38;
	[tilespmem:$0x1E210] =	vst v63  }
0xe3: {  	_ =	swait.ge [sflag:s26], $0x2000  }
0xe4: {  	[sflag:s26] =	ssyncset.done $0x0  }
0xe5: {  	s9 =	rddreg [dreg:$0x8];
	[sflag:s26] =	ssyncadd.s32 $0xFFFFE000  }
0xe6: {  	[spmem:s9] =	stream.linear.scatter [tilespmem:s28], [sflag:$0x2], $0x2000, $0x38;
	[tilespmem:$0x1E210] =	vst v63  }
0xe7: {  	_ =	swait.ge [sflag:s26], $0x2000  }
0xe8: {  	[sflag:s26] =	ssyncset.done $0x0  }
0xe9: {  	[sflag:s26] =	ssyncadd.s32 $0xFFFFE000  }
0xea: {  	[spmem:s11] =	stream.linear.scatter [tilespmem:s28], [sflag:$0x2], $0x2000, $0x38;
	[tilespmem:$0x1E210] =	vst v63  }
0xeb: {  	_ =	swait.ge [sflag:s26], $0x2000  }
0xec: {  	[sflag:s26] =	ssyncset.done $0x0  }
0xed: {  	[sflag:s26] =	ssyncadd.s32 $0xFFFFE000  }
0xee: {  	[spmem:s12] =	stream.linear.scatter [tilespmem:s28], [sflag:$0x2], $0x2000, $0x38;
	[tilespmem:$0x1E210] =	vst v63  }
0xef: {  	_ =	swait.ge [sflag:s26], $0x2000  }
0xf0: {  	[sflag:s26] =	ssyncset.done $0x0  }
0xf1: {  	[sflag:s26] =	ssyncadd.s32 $0xFFFFE000  }
0xf2: {  	[spmem:s13] =	stream.linear.scatter [tilespmem:s28], [sflag:$0x2], $0x2000, $0x38;
	[tilespmem:$0x1E210] =	vst v63  }
0xf3: {  	_ =	swait.ge [sflag:s26], $0x2000  }
0xf4: {  	[sflag:s26] =	ssyncset.done $0x0  }
0xf5: {  	[sflag:s26] =	ssyncadd.s32 $0xFFFFE000  }
0xf6: {  	[spmem:s14] =	stream.linear.scatter [tilespmem:s28], [sflag:$0x2], $0x2000, $0x38;
	[tilespmem:$0x1E210] =	vst v63  }
0xf7: {  	_ =	swait.ge [sflag:s26], $0x2000  }
0xf8: {  	[sflag:s26] =	ssyncset.done $0x0  }
0xf9: {  	[sflag:s26] =	ssyncadd.s32 $0xFFFFE000  }
0xfa: {  	s23 =	simm.s32 $0x0;
	[bflag:$0x0] =	sbarrier.arrive $0xFFFF  }
0xfb: {  	[tilespmem:s29], [sflag:$0x2] =	stream.linear.gather [hbm4b:s15+s23], $0x1000, $0x38;
	[tilespmem:$0x1E210] =	vst v63  }
0xfc: {  	_ =	swait.ge [sflag:s26], $0x1000  }
0xfd: {  	[sflag:s26] =	ssyncset.done $0x0  }
0xfe: {  	[sflag:s26] =	ssyncadd.s32 $0xFFFFF000  }
0xff: {  	[tilespmem:s30], [sflag:$0x2] =	stream.linear.gather [hbm4b:s16+s23], $0x1000, $0x38;
	[tilespmem:$0x1E210] =	vst v63  }
0x100: {  	_ =	swait.ge [sflag:s26], $0x1000  }
0x101: {  	[sflag:s26] =	ssyncset.done $0x0  }
0x102: {  	[sflag:s26] =	ssyncadd.s32 $0xFFFFF000  }
0x103: {  	[tilespmem:s31], [sflag:$0x2] =	stream.linear.gather [hbm4b:s17+s23], $0x1000, $0x38;
	[tilespmem:$0x1E210] =	vst v63  }
0x104: {  	_ =	swait.ge [sflag:s26], $0x1000  }
0x105: {  	[sflag:s26] =	ssyncset.done $0x0  }
0x106: {  	s2 =	simm.s32 $0x0;
	[sflag:s26] =	ssyncadd.s32 $0xFFFFF000  }
0x107: {  	v3 =	vld [tilespmem:s2+$0x12210]  }
0x108: {  	v4 =	vld [tilespmem:s2+$0x11210];
	_ =	sdelay $0x1  }
0x109: {  	v5 =	vld [tilespmem:s2+$0x10210];
	_ =	sdelay $0x1  }
0x10a: {  	s23 =	simm.s32 $0x10;
	v6 =	vshll.u32 v3, $0x3  }
0x10b: {  	v7 =	vld [tilespmem:s23+$0x12210];
	v6 =	vadd.s32 v4, v6  }
0x10c: {  	v8 =	vld [tilespmem:s23+$0x11210];
	vm0 =	vge.s32 v3, v0;
	v4 =	vsub.s32 v3, v0  }
0x10d: {  	vm1 =	vlt.s32 v3, v1;
	v3 =	vand.u32 $0xFFFFFC00, v5;
	v9 =	vshll.u32 v4, $0xA;
	v4 =	vld [tilespmem:s23+$0x10210]  }
0x10e: {  	vm0 =	vmand vm0, vm1;
	vm1 =	veq.s32 v3, $0x400;
	v3 =	vadd.s32 v9, v5  }
0x10f: {  	vm0 =	vmand vm1, vm0;
	v3 =	vadd.s32 $0xFFFFFC00, v3  }
0x110: {  	v3 =	vnsel vm0, $0x100000, v3;
	v5 =	vld.idx.msk [tilespmem:v6+s25+$0x0], $0xffff;
	v6 =	vshll.u32 v7, $0x3  }
0x111: {  	s3 =	simm.s32 $0x20;
	v9 =	vsub.s32 v7, v0;
	vm1 =	vlt.s32 v7, v1;
	[tilespmem:s2+$0x17210] =	vst v3;
	v6 =	vadd.s32 v8, v6  }
0x112: {  	s8 =	simm.s32 $0xC0;
	s9 =	simm.s32 $0x100;
	vm0 =	vge.s32 v7, v0;
	v3 =	vld [tilespmem:s3+$0x12210];
	v7 =	vand.u32 $0xFFFFFC00, v4;
	v8 =	vshll.u32 v9, $0xA  }
.LBB2_8:
0x113: {  	p1 =	sne.s32 s9, $0x3FC0;
	v9 =	vld [tilespmem:s3+$0x11210];
	vm0 =	vmand vm0, vm1;
	vm1 =	veq.s32 v7, $0x400;
	v7 =	vadd.s32 v8, v4  }
0x114: {  	v4 =	vld [tilespmem:s3+$0x10210];
	vm0 =	vmand vm1, vm0;
	v7 =	vadd.s32 $0xFFFFFC00, v7  }
.Ltmp3:
0x115: {  	v7 =	vnsel vm0, $0x100000, v7;
	[tilespmem:s2+$0x1A210] =	vst v5;
	s2 =	smov.u32 s23;
	s23 =	smov.u32 s3;
	(pc) =	sbr.rel @p1 .LBB2_8-.Ltmp3, $4  }
0x116: {  	v5 =	vld.idx.msk [tilespmem:v6+s25+$0x0], $0xffff;
	[tilespmem:s2+$0x17210] =	vst v7  }
0x117: {  	v6 =	vshll.u32 v3, $0x3  }
0x118: {  	s3 =	sshra.s32 s8, $0x2;
	s8 =	smov.u32 s9;
	vm0 =	vge.s32 v3, v0;
	v8 =	vsub.s32 v3, v0;
	v6 =	vadd.s32 v9, v6  }
0x119: {  	s9 =	sadd.s32 $0x40, s9;
	vm1 =	vlt.s32 v3, v1;
	v8 =	vshll.u32 v8, $0xA;
	v3 =	vld [tilespmem:s3+$0x12210];
	v7 =	vand.u32 $0xFFFFFC00, v4  }
0x11a: {  	v9 =	vld [tilespmem:s3+$0x11210]  }
0x11b: {  	vm0 =	vmand vm0, vm1;
	vm1 =	veq.s32 v7, $0x400;
	v4 =	vadd.s32 v8, v4  }
0x11c: {  	vm0 =	vmand vm1, vm0;
	v4 =	vadd.s32 $0xFFFFFC00, v4  }
0x11d: {  	v7 =	vld [tilespmem:s3+$0x10210];
	[tilespmem:s2+$0x1A210] =	vst v5;
	v4 =	vnsel vm0, $0x100000, v4  }
0x11e: {  	s8 =	sshra.s32 s8, $0x2;
	v5 =	vld.idx.msk [tilespmem:v6+s25+$0x0], $0xffff;
	[tilespmem:s23+$0x17210] =	vst v4;
	v4 =	vshll.u32 v3, $0x3  }
0x11f: {  	v6 =	vld [tilespmem:s8+$0x12210];
	v4 =	vadd.s32 v9, v4  }
0x120: {  	v8 =	vld [tilespmem:s8+$0x11210];
	_ =	sdelay $0x1  }
0x121: {  	vm0 =	vge.s32 v3, v0  }
0x122: {  	v10 =	vsub.s32 v3, v0;
	vm1 =	vlt.s32 v3, v1;
	v9 =	vld [tilespmem:s8+$0x10210];
	v3 =	vand.u32 $0xFFFFFC00, v7;
	[tilespmem:s23+$0x1A210] =	vst v5  }
0x123: {  	vm0 =	vmand vm0, vm1;
	v5 =	vshll.u32 v10, $0xA;
	v10 =	vshll.u32 v6, $0x3;
	v4 =	vld.idx.msk [tilespmem:v4+s25+$0x0], $0xffff  }
0x124: {  	vm1 =	veq.s32 v3, $0x400;
	v3 =	vadd.s32 v5, v7;
	v5 =	vadd.s32 v8, v10  }
0x125: {  	vm0 =	vmand vm1, vm0;
	v3 =	vadd.s32 $0xFFFFFC00, v3  }
0x126: {  	v3 =	vnsel vm0, $0x100000, v3  }
0x127: {  	[tilespmem:s3+$0x17210] =	vst v3  }
0x128: {  	vm1 =	vlt.s32 v6, v1;
	v3 =	vsub.s32 v6, v0;
	[tilespmem:s3+$0x1A210] =	vst v4  }
0x129: {  	vm0 =	vge.s32 v6, v0;
	v3 =	vshll.u32 v3, $0xA;
	v4 =	vand.u32 $0xFFFFFC00, v9;
	v5 =	vld.idx.msk [tilespmem:v5+s25+$0x0], $0xffff  }
0x12a: {  	vm0 =	vmand vm0, vm1;
	v3 =	vadd.s32 v3, v9;
	vm1 =	veq.s32 v4, $0x400  }
0x12b: {  	v3 =	vadd.s32 $0xFFFFFC00, v3;
	vm0 =	vmand vm1, vm0  }
0x12c: {  	v3 =	vnsel vm0, $0x100000, v3  }
0x12d: {  	[tilespmem:s8+$0x17210] =	vst v3  }
0x12e: {  	s9 =	rddreg [dreg:$0x3];
	[tilespmem:s8+$0x1A210] =	vst v5  }
0x12f: {  	[spmem:s9] =	stream.indirect.scatter.add.f32 [tilespmem:s22], [sflag:$0x2], $0x1, s21, s0, $0xb8;
	[tilespmem:$0x1E210] =	vst v63  }
0x130: {  	_ =	swait.ge [sflag:s26], $0x1000  }
0x131: {  	[sflag:s26] =	ssyncset.done $0x0  }
0x132: {  	s23 =	simm.s32 $0x0;
	[sflag:s26] =	ssyncadd.s32 $0xFFFFF000  }
0x133: {  	[tilespmem:s29], [sflag:$0x2] =	stream.linear.gather [hbm4b:s18+s23], $0x1000, $0x38;
	[tilespmem:$0x1E210] =	vst v63  }
0x134: {  	_ =	swait.ge [sflag:s26], $0x1000  }
0x135: {  	[sflag:s26] =	ssyncset.done $0x0  }
0x136: {  	[sflag:s26] =	ssyncadd.s32 $0xFFFFF000  }
0x137: {  	[tilespmem:s30], [sflag:$0x2] =	stream.linear.gather [hbm4b:s19+s23], $0x1000, $0x38;
	[tilespmem:$0x1E210] =	vst v63  }
0x138: {  	_ =	swait.ge [sflag:s26], $0x1000  }
0x139: {  	[sflag:s26] =	ssyncset.done $0x0  }
0x13a: {  	[sflag:s26] =	ssyncadd.s32 $0xFFFFF000  }
0x13b: {  	[tilespmem:s31], [sflag:$0x2] =	stream.linear.gather [hbm4b:s20+s23], $0x1000, $0x38;
	[tilespmem:$0x1E210] =	vst v63  }
0x13c: {  	_ =	swait.ge [sflag:s26], $0x1000  }
0x13d: {  	[sflag:s26] =	ssyncset.done $0x0  }
0x13e: {  	s2 =	simm.s32 $0x0;
	[sflag:s26] =	ssyncadd.s32 $0xFFFFF000  }
0x13f: {  	v3 =	vld [tilespmem:s2+$0x12210]  }
0x140: {  	v4 =	vld [tilespmem:s2+$0x11210];
	_ =	sdelay $0x1  }
0x141: {  	v5 =	vld [tilespmem:s2+$0x10210];
	_ =	sdelay $0x1  }
0x142: {  	s23 =	simm.s32 $0x10;
	v6 =	vshll.u32 v3, $0x3  }
0x143: {  	v7 =	vld [tilespmem:s23+$0x12210];
	v6 =	vadd.s32 v4, v6  }
0x144: {  	v8 =	vld [tilespmem:s23+$0x11210];
	vm0 =	vge.s32 v3, v0;
	v4 =	vsub.s32 v3, v0  }
0x145: {  	vm1 =	vlt.s32 v3, v1;
	v3 =	vand.u32 $0xFFFFFC00, v5;
	v9 =	vshll.u32 v4, $0xA;
	v4 =	vld [tilespmem:s23+$0x10210]  }
0x146: {  	vm0 =	vmand vm0, vm1;
	vm1 =	veq.s32 v3, $0x400;
	v3 =	vadd.s32 v9, v5  }
0x147: {  	vm0 =	vmand vm1, vm0;
	v3 =	vadd.s32 $0xFFFFFC00, v3  }
0x148: {  	v3 =	vnsel vm0, $0x100000, v3;
	v5 =	vld.idx.msk [tilespmem:v6+s25+$0x0], $0xffff;
	v6 =	vshll.u32 v7, $0x3  }
0x149: {  	s3 =	simm.s32 $0x20;
	v9 =	vsub.s32 v7, v0;
	vm1 =	vlt.s32 v7, v1;
	[tilespmem:s2+$0x17210] =	vst v3;
	v6 =	vadd.s32 v8, v6  }
0x14a: {  	s8 =	simm.s32 $0xC0;
	s9 =	simm.s32 $0x100;
	vm0 =	vge.s32 v7, v0;
	v3 =	vld [tilespmem:s3+$0x12210];
	v7 =	vand.u32 $0xFFFFFC00, v4;
	v8 =	vshll.u32 v9, $0xA  }
.LBB2_10:
0x14b: {  	p1 =	sne.s32 s9, $0x3FC0;
	v9 =	vld [tilespmem:s3+$0x11210];
	vm0 =	vmand vm0, vm1;
	vm1 =	veq.s32 v7, $0x400;
	v7 =	vadd.s32 v8, v4  }
0x14c: {  	v4 =	vld [tilespmem:s3+$0x10210];
	vm0 =	vmand vm1, vm0;
	v7 =	vadd.s32 $0xFFFFFC00, v7  }
.Ltmp4:
0x14d: {  	v7 =	vnsel vm0, $0x100000, v7;
	[tilespmem:s2+$0x1A210] =	vst v5;
	s2 =	smov.u32 s23;
	s23 =	smov.u32 s3;
	(pc) =	sbr.rel @p1 .LBB2_10-.Ltmp4, $4  }
0x14e: {  	v5 =	vld.idx.msk [tilespmem:v6+s25+$0x0], $0xffff;
	[tilespmem:s2+$0x17210] =	vst v7  }
0x14f: {  	v6 =	vshll.u32 v3, $0x3  }
0x150: {  	s3 =	sshra.s32 s8, $0x2;
	s8 =	smov.u32 s9;
	vm0 =	vge.s32 v3, v0;
	v8 =	vsub.s32 v3, v0;
	v6 =	vadd.s32 v9, v6  }
0x151: {  	s9 =	sadd.s32 $0x40, s9;
	vm1 =	vlt.s32 v3, v1;
	v8 =	vshll.u32 v8, $0xA;
	v3 =	vld [tilespmem:s3+$0x12210];
	v7 =	vand.u32 $0xFFFFFC00, v4  }
0x152: {  	v9 =	vld [tilespmem:s3+$0x11210]  }
0x153: {  	vm0 =	vmand vm0, vm1;
	vm9 =	veq.s32 v7, $0x400;
	v4 =	vadd.s32 v8, v4  }
0x154: {  	vm0 =	vmand vm9, vm0;
	v4 =	vadd.s32 $0xFFFFFC00, v4  }
0x155: {  	v55 =	vld [tilespmem:s3+$0x10210];
	[tilespmem:s2+$0x1A210] =	vst v5;
	v4 =	vnsel vm0, $0x100000, v4  }
0x156: {  	s9 =	sshra.s32 s8, $0x2;
	v5 =	vld.idx.msk [tilespmem:v6+s25+$0x0], $0xffff;
	[tilespmem:s23+$0x17210] =	vst v4;
	v56 =	vshll.u32 v3, $0x3  }
0x157: {  	v57 =	vld [tilespmem:s9+$0x12210];
	v4 =	vadd.s32 v9, v56  }
0x158: {  	v58 =	vld [tilespmem:s9+$0x11210];
	_ =	sdelay $0x1  }
0x159: {  	vm10 =	vge.s32 v3, v0  }
0x15a: {  	v59 =	vld [tilespmem:s9+$0x10210];
	v10 =	vsub.s32 v3, v0;
	vm11 =	vlt.s32 v3, v1;
	v3 =	vand.u32 $0xFFFFFC00, v55;
	[tilespmem:s23+$0x1A210] =	vst v5  }
0x15b: {  	v60 =	vshll.u32 v10, $0xA;
	vm0 =	vmand vm10, vm11;
	v61 =	vshll.u32 v57, $0x3;
	v4 =	vld.idx.msk [tilespmem:v4+s25+$0x0], $0xffff  }
0x15c: {  	vm12 =	veq.s32 v3, $0x400;
	v3 =	vadd.s32 v60, v55;
	v62 =	vadd.s32 v58, v61  }
0x15d: {  	vm0 =	vmand vm12, vm0;
	v3 =	vadd.s32 $0xFFFFFC00, v3  }
0x15e: {  	v3 =	vnsel vm0, $0x100000, v3  }
0x15f: {  	[tilespmem:s3+$0x17210] =	vst v3  }
0x160: {  	vm13 =	vge.s32 v57, v0;
	v3 =	vsub.s32 v57, v0;
	[tilespmem:s3+$0x1A210] =	vst v4  }
0x161: {  	vm14 =	vlt.s32 v57, v1;
	v63 =	vand.u32 $0xFFFFFC00, v59;
	v3 =	vshll.u32 v3, $0xA;
	v5 =	vld.idx.msk [tilespmem:v62+s25+$0x0], $0xffff  }
0x162: {  	vm0 =	vmand vm13, vm14;
	vm15 =	veq.s32 v63, $0x400;
	v3 =	vadd.s32 v3, v59  }
0x163: {  	vm0 =	vmand vm15, vm0;
	v3 =	vadd.s32 $0xFFFFFC00, v3  }
0x164: {  	v3 =	vnsel vm0, $0x100000, v3  }
0x165: {  	[tilespmem:s9+$0x17210] =	vst v3  }
0x166: {  	s23 =	rddreg [dreg:$0x3];
	[tilespmem:s9+$0x1A210] =	vst v5  }
0x167: {  	[spmem:s23] =	stream.indirect.scatter.add.f32 [tilespmem:s22], [sflag:$0x2], $0x1, s21, s0, $0xb8;
	[tilespmem:$0x1E210] =	vst v63  }
0x168: {  	_ =	swait.ge [sflag:s26], $0x1000  }
0x169: {  	[sflag:s26] =	ssyncset.done $0x0  }
0x16a: {  	[sflag:s26] =	ssyncadd.s32 $0xFFFFF000  }
0x16b: {  	[bflag:$0x0] =	sbarrier.arrive $0xFFFF  }
0x16c: {  	s8 =	simm.s32 $0x20;
	s9 =	simm.s32 $0x10;
	s3 =	rddreg [dreg:$0xa]  }
0x16d: {  	[hbm:s3@s8], [sflag:s6] =	dma.strided [spmem:s4@s9], $0x2000, s1, $0x10   }
0x16e: {  	_ =	swait.ge [sflag:s26], $0x2000  }
0x16f: {  	[sflag:s26] =	ssyncset.done $0x0  }
0x170: {  	[sflag:s26] =	ssyncadd.s32 $0xFFFFE000  }
0x171: {  	[bflag:$0x0] =	sbarrier.arrive $0xFFFF  }
0x172: {  	s2 =	sshrl.u32 @!p0 s10, $0x3;
	s3 =	rddreg [dreg:$0xb]  }
0x173: {  	[hbm:s3], [sflag:s6] =	dma.local @!p0 [spmem:s2], $0x400  }
0x174: {  	s2 =	simm.s32 @!p0 $0x2  }
0x175: {  	_ =	swait.ge @!p0 [sflag:s2], $0x400  }
0x176: {  	s24 =	sadd.s32 $0x1, s24;
	s23 =	rddreg [dreg:$0xc]  }
0x177: {  	p1 =	sne.s32 s24, s23  }
.Ltmp5:
0x178: {  	_ = 	snop;
	(pc) =	sbr.rel @p1 .LBB2_1-.Ltmp5, $3  }
0x179: {  	_ =	sdelay $0x1  }
0x17a: {  	[sflag:s2] =	ssyncset.done @!p0 $0x0  }
0x17b: {  	s8 =	smov.u32 s10;
	s9 =	simm.s32 $0x19210;
	[sflag:s2] =	ssyncadd.s32 @!p0 $0xFFFFFC00  }
0x17c: {  	_ =	sfence.sel $0x180000  }
0x17d: {  	[bflag:$0x0] =	sbarrier.arrive $0xFFFF  }
0x17e: {  	_ =	strace $0x90000047  }
0x17f: {  	[bflag:$0x2] =	sbarrier.arrive $0xFFFF  }
0x180: {  	s0 =	rddreg [dreg:$0x4]  }
0x181: {  	s0 =	sadd.s32 @!p0 $0x100000, s0  }
0x182: {  	[sflag:s0] =	ssyncadd.tile.s32 @!p0 $0x1;
	_ =	shalt  }
.Lfunc_end2:
_tile_overlayer_lowered:
.L_overlay_start_2:
0x183: {  	(tag) =	ssettag $0x2  }
0x184: {  	s0 =	rddreg [dreg:$0x0];
	s2 =	stileid.u32  }
0x185: {  	s1 =	rddreg [dreg:$0x1];
	p0 =	sne.s32 s2, $0x0  }
0x186: {  	s3 =	rddreg [dreg:$0x2];
	[bflag:$0x3] =	sbarrier.arrive $0xFFFF;
	s2 =	simm.s32 @!p0 $0x1C02  }
0x187: {  	[timem:s3], [sflag:s2] =	dma.local @!p0 [hbm:s0], s1  }
0x188: {  	s0 =	simm.s32 @!p0 $0x2  }
0x189: {  	_ =	swait.ge @!p0 [sflag:s0], s1  }
0x18a: {  	s1 =	ssub.s32 @!p0 $0x0, s1;
	[sflag:s0] =	ssyncset.done @!p0 $0x0  }
0x18b: {  	[sflag:s0] =	ssyncadd.s32 @!p0 s1  }
0x18c: {  	[bflag:$0x3] =	sbarrier.arrive $0xFFFF  }
0x18d: {  	_ =	shalt  }

</sc_bundles>
